<compile_context>
chip_gen: v7x
topology: tpu7x:2x2x1
jax: 0.10.2.dev20260603
libtpu: 0.0.44.dev20260713+nightly
codegen_flags: <defaults>
</compile_context>

<pallas_src>
import functools

import jax
import jax.numpy as jnp
from jax import lax
from jax.experimental import pallas as pl
from jax.experimental.pallas import tpu as pltpu
from jax.experimental.pallas import tpu_sc as plsc

B, S, D = 1, 2048, 768
FFN = 3072
E = 8
TOPK = 2
NPAIR = S * TOPK
TTR = 256
NPAD = NPAIR + E * TTR
NTILES = NPAD // TTR
DI = D // 2

_sc_info = plsc.get_sparse_core_info()
_NC = _sc_info.num_cores
NW = _NC * _sc_info.num_subcores
RPW = NPAD // NW
TPW = S // NW
NCH = D // 16


def _logits_body(hs_ref, gate_ref, logits_ref):
    logits_f = jax.lax.dot_general(
        hs_ref[...], gate_ref[...], (((1,), (1,)), ((), ())),
        preferred_element_type=jnp.float32)
    logits_ref[...] = logits_f.astype(jnp.bfloat16)


def _logits(hs2d, gate_w):
    return pl.pallas_call(
        _logits_body,
        out_shape=jax.ShapeDtypeStruct((S, E), jnp.bfloat16),
    )(hs2d, gate_w)


def _ffn_body(meta_ref, pk_ref, hs_ref, wg_ref, wu_ref, wd_ref, y_ref):
    j = pl.program_id(0)

    @pl.when(j < meta_ref[NTILES])
    def _compute():
        pk = pk_ref[...]
        sr = jnp.bitwise_and(pk, 0xFFFF)
        w = jax.lax.bitcast_convert_type(
            jnp.bitwise_and(pk, jnp.int32(-65536)), jnp.float32)
        tok_iota = jax.lax.broadcasted_iota(jnp.int32, (TTR, S), 1)
        p1h = jnp.where(tok_iota == sr, 1.0, 0.0).astype(jnp.bfloat16)
        x = jax.lax.dot_general(p1h, hs_ref[...], (((1,), (0,)), ((), ())),
                                preferred_element_type=jnp.float32
                                ).astype(jnp.bfloat16)
        g = jax.lax.dot_general(x, wg_ref[0], (((1,), (1,)), ((), ())),
                                preferred_element_type=jnp.float32)
        u = jax.lax.dot_general(x, wu_ref[0], (((1,), (1,)), ((), ())),
                                preferred_element_type=jnp.float32)
        h = (g * jax.nn.sigmoid(g) * u).astype(jnp.bfloat16)
        d = jax.lax.dot_general(h, wd_ref[0], (((1,), (1,)), ((), ())),
                                preferred_element_type=jnp.float32)
        y_ref[...] = d.astype(jnp.bfloat16).astype(jnp.float32) * w


def _ffn(meta, sortpk, hs2d, w_gate, w_up, w_down):
    grid_spec = pltpu.PrefetchScalarGridSpec(
        num_scalar_prefetch=1,
        grid=(NTILES,),
        in_specs=[
            pl.BlockSpec((TTR, 1), lambda j, m: (j, 0)),
            pl.BlockSpec((S, D), lambda j, m: (0, 0)),
            pl.BlockSpec((1, FFN, D), lambda j, m: (m[j], 0, 0)),
            pl.BlockSpec((1, FFN, D), lambda j, m: (m[j], 0, 0)),
            pl.BlockSpec((1, D, FFN), lambda j, m: (m[j], 0, 0)),
        ],
        out_specs=pl.BlockSpec((TTR, D), lambda j, m: (j, 0)),
    )
    return pl.pallas_call(
        _ffn_body,
        grid_spec=grid_spec,
        out_shape=jax.ShapeDtypeStruct((NPAD, D), jnp.float32),
    )(meta, sortpk, hs2d, w_gate, w_up, w_down)


@functools.partial(
    pl.kernel,
    mesh=plsc.VectorSubcoreMesh(core_axis_name="c", subcore_axis_name="s"),
    out_type=jax.ShapeDtypeStruct((S, D), jnp.float32),
    scratch_types=[
        pltpu.VMEM((TPW,), jnp.int32),
        pltpu.VMEM((TPW,), jnp.int32),
        pltpu.VMEM((TPW, D), jnp.float32),
        pltpu.VMEM((TPW, D), jnp.float32),
        pltpu.SemaphoreType.DMA,
        pltpu.SemaphoreType.DMA,
    ],
)
def _sc_combine(y_hbm, p1_hbm, p2_hbm, out_hbm, p1_v, p2_v, r1, r2, sem1, sem2):
    wid = lax.axis_index("s") * _NC + lax.axis_index("c")
    base = wid * TPW
    pltpu.sync_copy(p1_hbm.at[pl.ds(base, TPW)], p1_v)
    pltpu.sync_copy(p2_hbm.at[pl.ds(base, TPW)], p2_v)
    c1 = pltpu.async_copy(y_hbm.at[p1_v], r1, sem1)
    c2 = pltpu.async_copy(y_hbm.at[p2_v], r2, sem2)
    c1.wait()
    c2.wait()

    def tok_body(t, carry):
        def chunk_body(k, c):
            sl = pl.ds(k * 16, 16)
            r1[t, sl] = r1[t, sl] + r2[t, sl]
            return c
        return lax.fori_loop(0, NCH, chunk_body, carry)

    lax.fori_loop(0, TPW, tok_body, 0)
    pltpu.sync_copy(r1, out_hbm.at[pl.ds(base, TPW)])


@jax.jit
def _run(hs2d, gate_w, w_gate, w_up, w_down):
    logits = _logits(hs2d, gate_w)
    rw = jax.nn.softmax(logits, axis=1)
    rw_topk, sel = jax.lax.top_k(rw, TOPK)
    rwf = rw_topk.astype(jnp.float32)
    rwf = rwf / rwf.sum(axis=-1, keepdims=True)
    rwb = rwf.astype(jnp.bfloat16)

    eflat = jnp.concatenate([sel[:, 0], sel[:, 1]]).astype(jnp.int32)
    oh = (eflat[:, None] == jnp.arange(E, dtype=jnp.int32)[None, :]).astype(jnp.int32)
    cum = jnp.cumsum(oh, axis=0) - oh
    rank = jnp.take_along_axis(cum, eflat[:, None], axis=1)[:, 0]
    counts = jnp.sum(oh, axis=0)
    padded = ((counts + TTR - 1) // TTR) * TTR
    pcum = jnp.cumsum(padded)
    seg = pcum - padded
    pos = seg[eflat] + rank
    tok = jnp.concatenate([jnp.arange(S, dtype=jnp.int32)] * 2)
    wbits = jax.lax.bitcast_convert_type(
        jnp.concatenate([rwb[:, 0], rwb[:, 1]]), jnp.uint16).astype(jnp.int32)
    packed = jnp.bitwise_or(jnp.left_shift(wbits, 16), tok)
    sortpk = jnp.zeros((NPAD,), jnp.int32).at[pos].set(
        packed, unique_indices=True, mode="promise_in_bounds")
    p1 = pos[:S]
    p2 = pos[S:]
    nact = (pcum[E - 1] // TTR).astype(jnp.int32)
    eot = jnp.searchsorted(pcum, jnp.arange(NTILES, dtype=jnp.int32) * TTR,
                           side="right").astype(jnp.int32)
    eot = jnp.minimum(eot, E - 1)
    meta = jnp.concatenate([eot, nact[None]])

    y = _ffn(meta, sortpk.reshape(NPAD, 1), hs2d, w_gate, w_up, w_down)
    out32 = _sc_combine(y, p1, p2)
    return out32.astype(jnp.bfloat16), logits


def kernel(hidden_states, gate_w, w_gate, w_up, w_down):
    bsz, seq, d = hidden_states.shape
    hs2d = hidden_states.reshape(-1, d)
    out, logits = _run(hs2d, gate_w, w_gate, w_up, w_down)
    return out.reshape(bsz, seq, d), logits

# --- scband reference (transcript-rebuilt; emitter-appended) ---
"""Pipeline reference for scband-tx8-mixtral-sparse-moe-block-31413390803057 (READ-ONLY COPY).

The authoritative reference and input builder live on the scoring server;
editing this copy changes nothing except your own understanding.
"""

import jax, jax.numpy as jnp
import numpy as np

B, S, D = 1, 2048, 768
FFN = 3072
E = 8
TOPK = 2


def setup_inputs(seed: int = 0) -> dict:
    key = jax.random.key(seed)
    ks = jax.random.split(key, 5)
    hidden_states = (jax.random.normal(ks[0], (B, S, D), dtype=jnp.float32)).astype(jnp.bfloat16)
    gate_w = (jax.random.normal(ks[1], (E, D), dtype=jnp.float32) * 0.02).astype(jnp.bfloat16)
    w_gate = (jax.random.normal(ks[2], (E, FFN, D), dtype=jnp.float32) * 0.02).astype(jnp.bfloat16)
    w_up = (jax.random.normal(ks[3], (E, FFN, D), dtype=jnp.float32) * 0.02).astype(jnp.bfloat16)
    w_down = (jax.random.normal(ks[4], (E, D, FFN), dtype=jnp.float32) * 0.02).astype(jnp.bfloat16)
    return {"hidden_states": hidden_states, "gate_w": gate_w, "w_gate": w_gate, "w_up": w_up, "w_down": w_down}


def reference(hidden_states, gate_w, w_gate, w_up, w_down):
    bsz, seq, d = hidden_states.shape
    hs = hidden_states.reshape(-1, d)  # [T, D]
    # router
    router_logits = (hs @ gate_w.T).astype(jnp.bfloat16)  # [T, E]
    routing_weights = jax.nn.softmax(router_logits, axis=1)  # bf16 softmax as in torch
    # top-k (no_grad in original)
    rw_topk, sel = jax.lax.top_k(routing_weights, TOPK)  # [T, topk]
    rw_topk = rw_topk.astype(jnp.float32)
    rw_topk = rw_topk / rw_topk.sum(axis=-1, keepdims=True)
    rw_topk = rw_topk.astype(hs.dtype)
    # expert one-hot mask (mirrors tx8_one_hot_opt) combined with routing weights
    one_hot = jax.nn.one_hot(sel, E, dtype=hs.dtype)  # [T, topk, E]
    combine = (one_hot * rw_topk[..., None]).sum(axis=1)  # [T, E]
    # expert MLPs with masked combine (equivalent math to gather/index_add dispatch)
    final = jnp.zeros_like(hs)
    for e in range(E):
        h = jax.nn.silu(hs @ w_gate[e].T) * (hs @ w_up[e].T)
        h = h @ w_down[e].T
        final = final + (h * combine[:, e:e + 1]).astype(hs.dtype)
    final = final.reshape(bsz, seq, d)
    return final, router_logits

if __name__ == "__main__":
    import jax
    _d = setup_inputs()
    print(jax.jit(kernel)(*tuple(_d.values())))

</pallas_src>

<mosaic_0001>
#map = affine_map<(d0, d1) -> (0, 0)>
#map1 = affine_map<(d0, d1) -> (0)>
module attributes {stable_mosaic.version = 14 : i64} {
  func.func @_sc_combine(%arg0: i32, %arg1: i32, %arg2: memref<6144x768xf32, #tpu.memory_space<hbm>>, %arg3: memref<2048xi32, #tpu.memory_space<hbm>>, %arg4: memref<2048xi32, #tpu.memory_space<hbm>>, %arg5: memref<2048x768xf32, #tpu.memory_space<hbm>>, %arg6: memref<64xi32, #tpu.memory_space<vmem>>, %arg7: memref<64xi32, #tpu.memory_space<vmem>>, %arg8: memref<64x768xf32, #tpu.memory_space<vmem>>, %arg9: memref<64x768xf32, #tpu.memory_space<vmem>>, %arg10: memref<!tpu.dma_semaphore, #tpu.memory_space<semaphore_mem>>, %arg11: memref<!tpu.dma_semaphore, #tpu.memory_space<semaphore_mem>>) attributes {dimension_semantics = [#tpu.dimension_semantics<core_parallel>, #tpu.dimension_semantics<subcore_parallel>], iteration_bounds = array<i64: 2, 16>, scalar_prefetch = 0 : i64, scratch_operands = 6 : i64, tpu.core_type = #tpu.core_type<sc_vector_subcore>, window_params = [{transform_indices = #map}, {transform_indices = #map1}, {transform_indices = #map1}, {transform_indices = #map}]} {
    %mul3A = arith.constant 2 : i32
    %mul3A_0 = arith.muli %arg1, %mul3A : i32
    %add3A = arith.addi %mul3A_0, %arg0 : i32
    %mul3A_1 = arith.constant 64 : i32
    %mul3A_2 = arith.muli %add3A, %mul3A_1 : i32
    "tpu.region"() ({
      %run_scoped3A = tpu.sem_alloc : memref<!tpu.dma_semaphore, #tpu.memory_space<semaphore_mem>>
      %dma_start3A_18 = tpu.memref_slice %arg3[%mul3A_2] : memref<2048xi32, #tpu.memory_space<hbm>> -> memref<64xi32, #tpu.memory_space<hbm>>
      %dma_start3A_19 = tpu.memref_slice %arg3[%mul3A_2] : memref<2048xi32, #tpu.memory_space<hbm>> -> memref<64xi32, #tpu.memory_space<hbm>>
      tpu.enqueue_dma source(%dma_start3A_19 : memref<64xi32, #tpu.memory_space<hbm>>) target(%arg6 : memref<64xi32, #tpu.memory_space<vmem>>) target_semaphore(%run_scoped3A : memref<!tpu.dma_semaphore, #tpu.memory_space<semaphore_mem>>)
      %dma_wait3A_20 = tpu.memref_slice %arg3[%mul3A_2] : memref<2048xi32, #tpu.memory_space<hbm>> -> memref<64xi32, #tpu.memory_space<hbm>>
      %dma_wait3A_21 = tpu.memref_slice %arg3[%mul3A_2] : memref<2048xi32, #tpu.memory_space<hbm>> -> memref<64xi32, #tpu.memory_space<hbm>>
      tpu.wait_dma2 semaphore(%run_scoped3A : memref<!tpu.dma_semaphore, #tpu.memory_space<semaphore_mem>>) src(%dma_wait3A_21 : memref<64xi32, #tpu.memory_space<hbm>>) dst(%arg6 : memref<64xi32, #tpu.memory_space<vmem>>)
      tpu.yield
    }) : () -> ()
    "tpu.region"() ({
      %run_scoped3A = tpu.sem_alloc : memref<!tpu.dma_semaphore, #tpu.memory_space<semaphore_mem>>
      %dma_start3A_18 = tpu.memref_slice %arg4[%mul3A_2] : memref<2048xi32, #tpu.memory_space<hbm>> -> memref<64xi32, #tpu.memory_space<hbm>>
      %dma_start3A_19 = tpu.memref_slice %arg4[%mul3A_2] : memref<2048xi32, #tpu.memory_space<hbm>> -> memref<64xi32, #tpu.memory_space<hbm>>
      tpu.enqueue_dma source(%dma_start3A_19 : memref<64xi32, #tpu.memory_space<hbm>>) target(%arg7 : memref<64xi32, #tpu.memory_space<vmem>>) target_semaphore(%run_scoped3A : memref<!tpu.dma_semaphore, #tpu.memory_space<semaphore_mem>>)
      %dma_wait3A_20 = tpu.memref_slice %arg4[%mul3A_2] : memref<2048xi32, #tpu.memory_space<hbm>> -> memref<64xi32, #tpu.memory_space<hbm>>
      %dma_wait3A_21 = tpu.memref_slice %arg4[%mul3A_2] : memref<2048xi32, #tpu.memory_space<hbm>> -> memref<64xi32, #tpu.memory_space<hbm>>
      tpu.wait_dma2 semaphore(%run_scoped3A : memref<!tpu.dma_semaphore, #tpu.memory_space<semaphore_mem>>) src(%dma_wait3A_21 : memref<64xi32, #tpu.memory_space<hbm>>) dst(%arg7 : memref<64xi32, #tpu.memory_space<vmem>>)
      tpu.yield
    }) : () -> ()
    %dma_start3A = arith.constant 0 : i32
    %dma_start3A_3 = arith.constant 0 : i32
    %dma_start3A_4 = tpu.memref_slice %arg2[%dma_start3A, %dma_start3A_3] : memref<6144x768xf32, #tpu.memory_space<hbm>> -> memref<6144x768xf32, #tpu.memory_space<hbm>>
    tpu.enqueue_indirect_dma source(%dma_start3A_4 : memref<6144x768xf32, #tpu.memory_space<hbm>>) target(%arg8 : memref<64x768xf32, #tpu.memory_space<vmem>>) offsets(%arg6 : memref<64xi32, #tpu.memory_space<vmem>>) semaphore(%arg10 : memref<!tpu.dma_semaphore, #tpu.memory_space<semaphore_mem>>)
    %dma_start3A_5 = arith.constant 0 : i32
    %dma_start3A_6 = arith.constant 0 : i32
    %dma_start3A_7 = tpu.memref_slice %arg2[%dma_start3A_5, %dma_start3A_6] : memref<6144x768xf32, #tpu.memory_space<hbm>> -> memref<6144x768xf32, #tpu.memory_space<hbm>>
    tpu.enqueue_indirect_dma source(%dma_start3A_7 : memref<6144x768xf32, #tpu.memory_space<hbm>>) target(%arg9 : memref<64x768xf32, #tpu.memory_space<vmem>>) offsets(%arg7 : memref<64xi32, #tpu.memory_space<vmem>>) semaphore(%arg11 : memref<!tpu.dma_semaphore, #tpu.memory_space<semaphore_mem>>)
    %dma_wait3A = arith.constant 0 : i32
    %dma_wait3A_8 = arith.constant 0 : i32
    %dma_wait3A_9 = tpu.memref_slice %arg2[%dma_wait3A, %dma_wait3A_8] : memref<6144x768xf32, #tpu.memory_space<hbm>> -> memref<6144x768xf32, #tpu.memory_space<hbm>>
    tpu.wait_indirect_dma semaphore(%arg10 : memref<!tpu.dma_semaphore, #tpu.memory_space<semaphore_mem>>) src(%dma_wait3A_9 : memref<6144x768xf32, #tpu.memory_space<hbm>>) dst(%arg8 : memref<64x768xf32, #tpu.memory_space<vmem>>)
    %dma_wait3A_10 = arith.constant 0 : i32
    %dma_wait3A_11 = arith.constant 0 : i32
    %dma_wait3A_12 = tpu.memref_slice %arg2[%dma_wait3A_10, %dma_wait3A_11] : memref<6144x768xf32, #tpu.memory_space<hbm>> -> memref<6144x768xf32, #tpu.memory_space<hbm>>
    tpu.wait_indirect_dma semaphore(%arg11 : memref<!tpu.dma_semaphore, #tpu.memory_space<semaphore_mem>>) src(%dma_wait3A_12 : memref<6144x768xf32, #tpu.memory_space<hbm>>) dst(%arg9 : memref<64x768xf32, #tpu.memory_space<vmem>>)
    %scan3A = arith.constant 0 : i32
    %scan3A_13 = arith.constant 0 : i32
    %scan3A_14 = arith.constant 64 : i32
    %scan3A_15 = arith.addi %scan3A_13, %scan3A_14 : i32
    %scan3A_16 = arith.constant 1 : i32
    scf.for %scan3A_18 = %scan3A_13 to %scan3A_15 step %scan3A_16  : i32 {
      %scan3A_19 = arith.constant 0 : i32
      %scan3A_20 = arith.constant 48 : i32
      %scan3A_21 = arith.addi %scan3A_19, %scan3A_20 : i32
      %scan3A_22 = arith.constant 1 : i32
      scf.for %scan3A_24 = %scan3A_19 to %scan3A_21 step %scan3A_22  : i32 {
        %mul3A_25 = arith.constant 16 : i32
        %mul3A_26 = arith.muli %scan3A_24, %mul3A_25 : i32
        %get3A = arith.index_cast %scan3A_18 : i32 to index
        %get3A_27 = arith.index_cast %mul3A_26 : i32 to index
        %get3A_28 = tpu.vector_load %arg8[%get3A, %get3A_27] {strides = array<i32>} : memref<64x768xf32, #tpu.memory_space<vmem>>, vector<1x16xf32>,
        %get3A_29 = vector.shape_cast %get3A_28 : vector<1x16xf32> to vector<16xf32>
        %get3A_30 = arith.index_cast %scan3A_18 : i32 to index
        %get3A_31 = arith.index_cast %mul3A_26 : i32 to index
        %get3A_32 = tpu.vector_load %arg9[%get3A_30, %get3A_31] {strides = array<i32>} : memref<64x768xf32, #tpu.memory_space<vmem>>, vector<1x16xf32>,
        %get3A_33 = vector.shape_cast %get3A_32 : vector<1x16xf32> to vector<16xf32>
        %add3A_34 = arith.addf %get3A_29, %get3A_33 : vector<16xf32>
        %swap3A = arith.index_cast %scan3A_18 : i32 to index
        %swap3A_35 = arith.index_cast %mul3A_26 : i32 to index
        %swap3A_36 = tpu.vector_load %arg8[%swap3A, %swap3A_35] {strides = array<i32>} : memref<64x768xf32, #tpu.memory_space<vmem>>, vector<1x16xf32>,
        %swap3A_37 = vector.shape_cast %swap3A_36 : vector<1x16xf32> to vector<16xf32>
        %swap3A_38 = vector.shape_cast %add3A_34 : vector<16xf32> to vector<1x16xf32>
        tpu.vector_store %arg8[%swap3A, %swap3A_35], %swap3A_38 {strides = array<i32>} : memref<64x768xf32, #tpu.memory_space<vmem>>, vector<1x16xf32>,
      }
      %scan3A_23 = arith.constant 48 : i32
    }
    %scan3A_17 = arith.constant 64 : i32
    "tpu.region"() ({
      %run_scoped3A = tpu.sem_alloc : memref<!tpu.dma_semaphore, #tpu.memory_space<semaphore_mem>>
      %dma_start3A_18 = arith.constant 0 : i32
      %dma_start3A_19 = tpu.memref_slice %arg5[%mul3A_2, %dma_start3A_18] : memref<2048x768xf32, #tpu.memory_space<hbm>> -> memref<64x768xf32, #tpu.memory_space<hbm>>
      %dma_start3A_20 = arith.constant 0 : i32
      %dma_start3A_21 = tpu.memref_slice %arg5[%mul3A_2, %dma_start3A_20] : memref<2048x768xf32, #tpu.memory_space<hbm>> -> memref<64x768xf32, #tpu.memory_space<hbm>>
      tpu.enqueue_dma source(%arg8 : memref<64x768xf32, #tpu.memory_space<vmem>>) target(%dma_start3A_21 : memref<64x768xf32, #tpu.memory_space<hbm>>) target_semaphore(%run_scoped3A : memref<!tpu.dma_semaphore, #tpu.memory_space<semaphore_mem>>)
      %dma_wait3A_22 = arith.constant 0 : i32
      %dma_wait3A_23 = tpu.memref_slice %arg5[%mul3A_2, %dma_wait3A_22] : memref<2048x768xf32, #tpu.memory_space<hbm>> -> memref<64x768xf32, #tpu.memory_space<hbm>>
      %dma_wait3A_24 = arith.constant 0 : i32
      %dma_wait3A_25 = tpu.memref_slice %arg5[%mul3A_2, %dma_wait3A_24] : memref<2048x768xf32, #tpu.memory_space<hbm>> -> memref<64x768xf32, #tpu.memory_space<hbm>>
      tpu.wait_dma2 semaphore(%run_scoped3A : memref<!tpu.dma_semaphore, #tpu.memory_space<semaphore_mem>>) src(%arg8 : memref<64x768xf32, #tpu.memory_space<vmem>>) dst(%dma_wait3A_25 : memref<64x768xf32, #tpu.memory_space<hbm>>)
      tpu.yield
    }) : () -> ()
    return
  }
}

module attributes {stable_mosaic.version = 14 : i64} {
  func.func @_logits_body(%arg0: memref<2048x768xbf16, #tpu.memory_space<vmem>>, %arg1: memref<8x768xbf16, #tpu.memory_space<vmem>>, %arg2: memref<2048x8xbf16, #tpu.memory_space<vmem>>) attributes {dimension_semantics = [], scalar_prefetch = 0 : i64, scratch_operands = 0 : i64, tpu.core_type = #tpu.core_type<tc>} {
    %get3A = arith.constant 0 : index
    %get3A_0 = arith.constant 0 : index
    %get3A_1 = vector.load %arg0[%get3A, %get3A_0] : memref<2048x768xbf16, #tpu.memory_space<vmem>>, vector<2048x768xbf16>
    %get3A_2 = arith.constant 0 : index
    %get3A_3 = arith.constant 0 : index
    %get3A_4 = vector.load %arg1[%get3A_2, %get3A_3] : memref<8x768xbf16, #tpu.memory_space<vmem>>, vector<8x768xbf16>
    %dot_general3A = arith.constant dense<0.000000e+00> : vector<2048x8xf32>
    %dot_general3A_5 = tpu.matmul %get3A_1, %get3A_4, %dot_general3A {dimension_numbers = #tpu.dot_dimension_numbers<[1], [1], [0], [0], [0, 0, 1, 0], [], []>, transpose_lhs_hint = false} : vector<2048x768xbf16>, vector<8x768xbf16>, vector<2048x8xf32> -> vector<2048x8xf32>
    %convert_element_type3A = arith.truncf %dot_general3A_5 : vector<2048x8xf32> to vector<2048x8xbf16>
    %swap3A = arith.constant 0 : index
    %swap3A_6 = arith.constant 0 : index
    %swap3A_7 = vector.load %arg2[%swap3A, %swap3A_6] : memref<2048x8xbf16, #tpu.memory_space<vmem>>, vector<2048x8xbf16>
    tpu.vector_store %arg2[%swap3A, %swap3A_6], %convert_element_type3A {strides = array<i32>} : memref<2048x8xbf16, #tpu.memory_space<vmem>>, vector<2048x8xbf16>,
    return
  }
}

module attributes {stable_mosaic.version = 14 : i64} {
  func.func @_ffn_body(%arg0: i32, %arg1: memref<25xi32, #tpu.memory_space<smem>>, %arg2: memref<256x1xi32, #tpu.memory_space<vmem>>, %arg3: memref<2048x768xbf16, #tpu.memory_space<vmem>>, %arg4: memref<1x3072x768xbf16, #tpu.memory_space<vmem>>, %arg5: memref<1x3072x768xbf16, #tpu.memory_space<vmem>>, %arg6: memref<1x768x3072xbf16, #tpu.memory_space<vmem>>, %arg7: memref<256x768xf32, #tpu.memory_space<vmem>>) attributes {dimension_semantics = [#tpu.dimension_semantics<arbitrary>], iteration_bounds = array<i64: 24>, scalar_prefetch = 1 : i64, scratch_operands = 0 : i64, tpu.core_type = #tpu.core_type<tc>, window_params = [{transform_indices = @transform_0, window_bounds = array<i64: 256, 1>}, {pipeline_mode = #tpu.pipeline_mode<synchronous>, transform_indices = @transform_1, window_bounds = array<i64: 2048, 768>}, {transform_indices = @transform_2, window_bounds = array<i64: 1, 3072, 768>}, {transform_indices = @transform_3, window_bounds = array<i64: 1, 3072, 768>}, {transform_indices = @transform_4, window_bounds = array<i64: 1, 768, 3072>}, {transform_indices = @transform_5, window_bounds = array<i64: 256, 768>}]} {
    %get3A = arith.constant 24 : index
    %get3A_0 = memref.load %arg1[%get3A] : memref<25xi32, #tpu.memory_space<smem>>
    %lt3A = arith.cmpi slt, %arg0, %get3A_0 : i32
    %convert_element_type3A = arith.extui %lt3A : i1 to i32
    %cond3A = arith.constant 0 : i32
    %cond3A_1 = arith.cmpi ne, %convert_element_type3A, %cond3A : i32
    scf.if %cond3A_1 {
      %get3A_2 = arith.constant 0 : index
      %get3A_3 = arith.constant 0 : index
      %get3A_4 = vector.load %arg2[%get3A_2, %get3A_3] : memref<256x1xi32, #tpu.memory_space<vmem>>, vector<256x1xi32>
      %and3A = arith.constant 65535 : i32
      %and3A_5 = vector.broadcast %and3A : i32 to vector<256x1xi32>
      %and3A_6 = arith.andi %get3A_4, %and3A_5 : vector<256x1xi32>
      %and3A_7 = arith.constant -65536 : i32
      %and3A_8 = vector.broadcast %and3A_7 : i32 to vector<256x1xi32>
      %and3A_9 = arith.andi %get3A_4, %and3A_8 : vector<256x1xi32>
      %bitcast_convert_type3A = tpu.bitcast %and3A_9 : vector<256x1xi32> -> vector<256x1xf32>
      %iota3A = tpu.iota {dimensions = array<i32: 1>} : vector<256x2048xi32>
      %eq3A = vector.broadcast %and3A_6 : vector<256x1xi32> to vector<256x2048xi32>
      %eq3A_10 = arith.cmpi eq, %iota3A, %eq3A : vector<256x2048xi32>
      %jit3A = arith.constant 1.000000e+00 : f32
      %jit3A_11 = arith.constant 0.000000e+00 : f32
      %broadcast_in_dim3A = vector.broadcast %jit3A : f32 to vector<256x2048xf32>
      %broadcast_in_dim3A_12 = vector.broadcast %jit3A_11 : f32 to vector<256x2048xf32>
      %select_n3A = arith.select %eq3A_10, %broadcast_in_dim3A, %broadcast_in_dim3A_12 : vector<256x2048xi1>, vector<256x2048xf32>
      %convert_element_type3A_13 = arith.truncf %select_n3A : vector<256x2048xf32> to vector<256x2048xbf16>
      %get3A_14 = arith.constant 0 : index
      %get3A_15 = arith.constant 0 : index
      %get3A_16 = vector.load %arg3[%get3A_14, %get3A_15] : memref<2048x768xbf16, #tpu.memory_space<vmem>>, vector<2048x768xbf16>
      %dot_general3A = arith.constant dense<0.000000e+00> : vector<256x768xf32>
      %dot_general3A_17 = tpu.matmul %convert_element_type3A_13, %get3A_16, %dot_general3A {dimension_numbers = #tpu.dot_dimension_numbers<[1], [0], [0], [1], [0, 0, 1, 1], [], []>, transpose_lhs_hint = false} : vector<256x2048xbf16>, vector<2048x768xbf16>, vector<256x768xf32> -> vector<256x768xf32>
      %convert_element_type3A_18 = arith.truncf %dot_general3A_17 : vector<256x768xf32> to vector<256x768xbf16>
      %get3A_19 = arith.constant 0 : index
      %get3A_20 = arith.constant 0 : index
      %get3A_21 = arith.constant 0 : index
      %get3A_22 = vector.load %arg4[%get3A_19, %get3A_20, %get3A_21] : memref<1x3072x768xbf16, #tpu.memory_space<vmem>>, vector<1x3072x768xbf16>
      %get3A_23 = vector.shape_cast %get3A_22 : vector<1x3072x768xbf16> to vector<3072x768xbf16>
      %dot_general3A_24 = arith.constant dense<0.000000e+00> : vector<256x3072xf32>
      %dot_general3A_25 = tpu.matmul %convert_element_type3A_18, %get3A_23, %dot_general3A_24 {dimension_numbers = #tpu.dot_dimension_numbers<[1], [1], [0], [0], [0, 0, 1, 0], [], []>, transpose_lhs_hint = false} : vector<256x768xbf16>, vector<3072x768xbf16>, vector<256x3072xf32> -> vector<256x3072xf32>
      %get3A_26 = arith.constant 0 : index
      %get3A_27 = arith.constant 0 : index
      %get3A_28 = arith.constant 0 : index
      %get3A_29 = vector.load %arg5[%get3A_26, %get3A_27, %get3A_28] : memref<1x3072x768xbf16, #tpu.memory_space<vmem>>, vector<1x3072x768xbf16>
      %get3A_30 = vector.shape_cast %get3A_29 : vector<1x3072x768xbf16> to vector<3072x768xbf16>
      %dot_general3A_31 = arith.constant dense<0.000000e+00> : vector<256x3072xf32>
      %dot_general3A_32 = tpu.matmul %convert_element_type3A_18, %get3A_30, %dot_general3A_31 {dimension_numbers = #tpu.dot_dimension_numbers<[1], [1], [0], [0], [0, 0, 1, 0], [], []>, transpose_lhs_hint = false} : vector<256x768xbf16>, vector<3072x768xbf16>, vector<256x3072xf32> -> vector<256x3072xf32>
      %logistic3A = arith.negf %dot_general3A_25 : vector<256x3072xf32>
      %logistic3A_33 = math.exp %logistic3A : vector<256x3072xf32>
      %logistic3A_34 = arith.constant 1.000000e+00 : f32
      %logistic3A_35 = vector.broadcast %logistic3A_34 : f32 to vector<256x3072xf32>
      %logistic3A_36 = arith.addf %logistic3A_35, %logistic3A_33 : vector<256x3072xf32>
      %logistic3A_37 = arith.divf %logistic3A_35, %logistic3A_36 : vector<256x3072xf32>
      %mul3A = arith.mulf %dot_general3A_25, %logistic3A_37 : vector<256x3072xf32>
      %mul3A_38 = arith.mulf %mul3A, %dot_general3A_32 : vector<256x3072xf32>
      %convert_element_type3A_39 = arith.truncf %mul3A_38 : vector<256x3072xf32> to vector<256x3072xbf16>
      %get3A_40 = arith.constant 0 : index
      %get3A_41 = arith.constant 0 : index
      %get3A_42 = arith.constant 0 : index
      %get3A_43 = vector.load %arg6[%get3A_40, %get3A_41, %get3A_42] : memref<1x768x3072xbf16, #tpu.memory_space<vmem>>, vector<1x768x3072xbf16>
      %get3A_44 = vector.shape_cast %get3A_43 : vector<1x768x3072xbf16> to vector<768x3072xbf16>
      %dot_general3A_45 = arith.constant dense<0.000000e+00> : vector<256x768xf32>
      %dot_general3A_46 = tpu.matmul %convert_element_type3A_39, %get3A_44, %dot_general3A_45 {dimension_numbers = #tpu.dot_dimension_numbers<[1], [1], [0], [0], [0, 0, 1, 0], [], []>, transpose_lhs_hint = false} : vector<256x3072xbf16>, vector<768x3072xbf16>, vector<256x768xf32> -> vector<256x768xf32>
      %convert_element_type3A_47 = arith.truncf %dot_general3A_46 : vector<256x768xf32> to vector<256x768xbf16>
      %convert_element_type3A_48 = arith.extf %convert_element_type3A_47 : vector<256x768xbf16> to vector<256x768xf32>
      %mul3A_49 = vector.broadcast %bitcast_convert_type3A : vector<256x1xf32> to vector<256x768xf32>
      %mul3A_50 = arith.mulf %convert_element_type3A_48, %mul3A_49 : vector<256x768xf32>
      %swap3A = arith.constant 0 : index
      %swap3A_51 = arith.constant 0 : index
      %swap3A_52 = vector.load %arg7[%swap3A, %swap3A_51] : memref<256x768xf32, #tpu.memory_space<vmem>>, vector<256x768xf32>
      tpu.vector_store %arg7[%swap3A, %swap3A_51], %mul3A_50 {strides = array<i32>} : memref<256x768xf32, #tpu.memory_space<vmem>>, vector<256x768xf32>,
    } else {
    }
    return
  }
  func.func @transform_0(%arg0: i32, %arg1: memref<25xi32, #tpu.memory_space<smem>>) -> (i32, i32) {
    %c0_i32 = arith.constant 0 : i32
    %c0_i32_0 = arith.constant 0 : i32
    return %arg0, %c0_i32 : i32, i32
  }
  func.func @transform_1(%arg0: i32, %arg1: memref<25xi32, #tpu.memory_space<smem>>) -> (i32, i32) {
    %c0_i32 = arith.constant 0 : i32
    %c0_i32_0 = arith.constant 0 : i32
    %c0_i32_1 = arith.constant 0 : i32
    return %c0_i32, %c0_i32_0 : i32, i32
  }
  func.func @transform_2(%arg0: i32, %arg1: memref<25xi32, #tpu.memory_space<smem>>) -> (i32, i32, i32) {
    %get3A = arith.index_cast %arg0 : i32 to index
    %get3A_0 = memref.load %arg1[%get3A] : memref<25xi32, #tpu.memory_space<smem>>
    %c0_i32 = arith.constant 0 : i32
    %c0_i32_1 = arith.constant 0 : i32
    %c0_i32_2 = arith.constant 0 : i32
    return %get3A_0, %c0_i32, %c0_i32_1 : i32, i32, i32
  }
  func.func @transform_3(%arg0: i32, %arg1: memref<25xi32, #tpu.memory_space<smem>>) -> (i32, i32, i32) {
    %get3A = arith.index_cast %arg0 : i32 to index
    %get3A_0 = memref.load %arg1[%get3A] : memref<25xi32, #tpu.memory_space<smem>>
    %c0_i32 = arith.constant 0 : i32
    %c0_i32_1 = arith.constant 0 : i32
    %c0_i32_2 = arith.constant 0 : i32
    return %get3A_0, %c0_i32, %c0_i32_1 : i32, i32, i32
  }
  func.func @transform_4(%arg0: i32, %arg1: memref<25xi32, #tpu.memory_space<smem>>) -> (i32, i32, i32) {
    %get3A = arith.index_cast %arg0 : i32 to index
    %get3A_0 = memref.load %arg1[%get3A] : memref<25xi32, #tpu.memory_space<smem>>
    %c0_i32 = arith.constant 0 : i32
    %c0_i32_1 = arith.constant 0 : i32
    %c0_i32_2 = arith.constant 0 : i32
    return %get3A_0, %c0_i32, %c0_i32_1 : i32, i32, i32
  }
  func.func @transform_5(%arg0: i32, %arg1: memref<25xi32, #tpu.memory_space<smem>>) -> (i32, i32) {
    %c0_i32 = arith.constant 0 : i32
    %c0_i32_0 = arith.constant 0 : i32
    return %arg0, %c0_i32 : i32, i32
  }
}

</mosaic_0001>

<sc_bundles>
// kernel: _run.5.cloned.1.call-start
scs
__scs_entry_jumppad:
0x0: {  	(pc) =	sbr.rel $0x88, $3  }
0x1: {  	(tag) =	ssettag $0x0;
	lr =	simm.s32 $0x1  }
0x2: {  	[smem:$0x3F9C] =	sst lr;
	_ =	strace $0xD0000000  }
0x3: {  	_ = 	snop  }
0x4: {  	_ = 	snop  }
0x5: {  	_ = 	snop  }
0x6: {  	_ = 	snop  }
0x7: {  	_ = 	snop  }
__scs_overlays_trampoline_lowered:
0x8: {  	[smem:$0x3FAB] =	sst s0  }
0x9: {  	[smem:$0x3FAC] =	sst s1  }
0xa: {  	[smem:$0x3FAD] =	sst s2  }
0xb: {  	[smem:$0x3FAE] =	sst s3  }
0xc: {  	[smem:$0x3FAF] =	sst s4  }
0xd: {  	[smem:$0x3FB0] =	sst s5  }
0xe: {  	[smem:$0x3FB1] =	sst s6  }
0xf: {  	[smem:$0x3FB2] =	sst s7  }
0x10: {  	[smem:$0x3FB3] =	sst s8  }
0x11: {  	[smem:$0x3FB4] =	sst s9;
	s0 =	simm.s32 @!p0 $0x0  }
0x12: {  	s1 =	sld [smem:$0x3F9A];
	s0 =	simm.s32 @p0 $0x1  }
0x13: {  	[smem:$0x3FB5] =	sst s0;
	s0 =	simm.s32 @!p1 $0x0  }
0x14: {  	s2 =	sld [smem:$0x3F99];
	s0 =	simm.s32 @p1 $0x1  }
0x15: {  	[smem:$0x3FB6] =	sst s0;
	s0 =	simm.s32 @!p2 $0x0  }
0x16: {  	s3 =	sld [smem:$0x3FDB];
	s0 =	simm.s32 @p2 $0x1  }
0x17: {  	s4 =	simm.s32 $0x1BF5;
	[smem:$0x3FB8] =	sst s0  }
0x18: {  	s0 =	sld [smem:$0x3F9B];
	_ =	swait.ge [sflag:s4], $0x0  }
0x19: {  	s7 =	sld [smem:$0x3F9C]  }
0x1a: {  	s8 =	sadd.s32 $0xFFFFE003, lr  }
0x1b: {  	s9 =	sadd.s32 $0xFFFFFEF7, lr;
	s5 =	simm.s32 $0xFFFFFFFF;
	p2 =	slt.u32 s8, $0xFFFFF086  }
0x1c: {  	p1 =	slt.u32 s9, $0xF7A;
	s5 =	simm.s32 @!p2 $0x0  }
0x1d: {  	s5 =	simm.s32 @p1 $0x1;
	p0 =	seq.s32 s7, s2  }
0x1e: {  	s7 =	smul.u32 @!p0 $0xF7A, s2;
	p2 =	seq.s32 @!p0 s5, $0x0  }
0x1f: {  	s9 =	smul.u32 $0xF7A, s1;
	s8 =	simm.s32 @!p0 $0x1BF5;
	p2 =	por !p2, p0  }
0x20: {  	[sflag:s8] =	ssyncset.s32 @!p0 $0xFFFFF086;
	s6 =	sadd.s32 @!p0 s3, s7;
	s7 =	simm.s32 @!p0 $0x108  }
0x21: {  	s3 =	sadd.s32 s3, s9;
	s6 =	sadd.s32 @!p0 $0x88, s6;
	s7 =	simm.s32 @p2 $0x1082  }
0x22: {  	[simem:s7], [sflag:s8] =	dma.local @!p0 [hbm:s6], $0xF7A  }
0x23: {  	s9 =	sor.u32 $0xD0000000, s2;
	s6 =	simm.s32 $0x108;
	_ =	swait.ge @!p0 [sflag:s8], $0x0  }
0x24: {  	s3 =	sadd.s32 $0x88, s3;
	s6 =	simm.s32 @!p1 $0x1082;
	[sflag:s4] =	ssyncset.s32 $0xFFFFF086  }
0x25: {  	[simem:s6], [sflag:s4] =	dma.local [hbm:s3], $0xF7A  }
0x26: {  	[smem:$0x3F9C] =	sst s1;
	(tag) =	ssettag s2;
	_ =	strace s9  }
0x27: {  	s1 =	sld [smem:$0x3FAC]  }
0x28: {  	s2 =	sld [smem:$0x3FAD]  }
0x29: {  	s4 =	sld [smem:$0x3FAF]  }
0x2a: {  	p0 =	seq.s32 s5, $0x0;
	s5 =	sld [smem:$0x3FB0]  }
0x2b: {  	s6 =	sld [smem:$0x3FB1]  }
0x2c: {  	s7 =	sld [smem:$0x3FB2]  }
0x2d: {  	s3 =	simm.s32 $0x108;
	s8 =	sld [smem:$0x3FB3]  }
0x2e: {  	s3 =	simm.s32 @!p0 $0x1082;
	s9 =	sld [smem:$0x3FB4]  }
0x2f: {  	lr =	sadd.s32 s0, s3;
	s0 =	sld [smem:$0x3FAB]  }
0x30: {  	s3 =	sld [smem:$0x3FAE]  }
0x31: {  	[smem:$0x3FB7] =	sst s10  }
0x32: {  	s10 =	sld [smem:$0x3FB5];
	_ =	sdelay $0x3  }
0x33: {  	p0 =	seq.s32 s10, $0x1;
	s10 =	sld [smem:$0x3FB7];
	_ =	sdelay $0x3  }
0x34: {  	[smem:$0x3FB7] =	sst s10  }
0x35: {  	s10 =	sld [smem:$0x3FB6];
	_ =	sdelay $0x3  }
0x36: {  	p1 =	seq.s32 s10, $0x1;
	s10 =	sld [smem:$0x3FB7];
	_ =	sdelay $0x3  }
0x37: {  	[smem:$0x3FB7] =	sst s10  }
0x38: {  	s10 =	sld [smem:$0x3FB8]  }
0x39: {  	_ = 	snop;
	(pc) =	sbr.ind lr, $3  }
0x3a: {  	_ = 	snop  }
0x3b: {  	_ = 	snop  }
0x3c: {  	p2 =	seq.s32 s10, $0x1;
	s10 =	sld [smem:$0x3FB7]  }
0x3d: {  	_ =	shalt  }
0x3e: {  	_ =	shalt  }
0x3f: {  	_ =	shalt  }
0x40: {  	_ =	shalt  }
0x41: {  	_ =	shalt  }
0x42: {  	_ =	shalt  }
0x43: {  	_ =	shalt  }
0x44: {  	_ =	shalt  }
0x45: {  	_ =	shalt  }
0x46: {  	_ =	shalt  }
0x47: {  	_ =	shalt  }
0x48: {  	_ =	shalt  }
0x49: {  	_ =	shalt  }
0x4a: {  	_ =	shalt  }
0x4b: {  	_ =	shalt  }
0x4c: {  	_ =	shalt  }
0x4d: {  	_ =	shalt  }
0x4e: {  	_ =	shalt  }
0x4f: {  	_ =	shalt  }
0x50: {  	_ =	shalt  }
0x51: {  	_ =	shalt  }
0x52: {  	_ =	shalt  }
0x53: {  	_ =	shalt  }
0x54: {  	_ =	shalt  }
0x55: {  	_ =	shalt  }
0x56: {  	_ =	shalt  }
0x57: {  	_ =	shalt  }
0x58: {  	_ =	shalt  }
0x59: {  	_ =	shalt  }
0x5a: {  	_ =	shalt  }
0x5b: {  	_ =	shalt  }
0x5c: {  	_ =	shalt  }
0x5d: {  	_ =	shalt  }
0x5e: {  	_ =	shalt  }
0x5f: {  	_ =	shalt  }
0x60: {  	_ =	shalt  }
0x61: {  	_ =	shalt  }
0x62: {  	_ =	shalt  }
0x63: {  	_ =	shalt  }
0x64: {  	_ =	shalt  }
0x65: {  	_ =	shalt  }
0x66: {  	_ =	shalt  }
0x67: {  	_ =	shalt  }
0x68: {  	_ =	shalt  }
0x69: {  	_ =	shalt  }
0x6a: {  	_ =	shalt  }
0x6b: {  	_ =	shalt  }
0x6c: {  	_ =	shalt  }
0x6d: {  	_ =	shalt  }
0x6e: {  	_ =	shalt  }
0x6f: {  	_ =	shalt  }
0x70: {  	_ =	shalt  }
0x71: {  	_ =	shalt  }
0x72: {  	_ =	shalt  }
0x73: {  	_ =	shalt  }
0x74: {  	_ =	shalt  }
0x75: {  	_ =	shalt  }
0x76: {  	_ =	shalt  }
0x77: {  	_ =	shalt  }
0x78: {  	_ =	shalt  }
0x79: {  	_ =	shalt  }
0x7a: {  	_ =	shalt  }
0x7b: {  	_ =	shalt  }
0x7c: {  	_ =	shalt  }
0x7d: {  	_ =	shalt  }
0x7e: {  	_ =	shalt  }
0x7f: {  	_ =	shalt  }
0x80: {  	_ =	shalt  }
0x81: {  	_ =	shalt  }
0x82: {  	_ =	shalt  }
0x83: {  	_ =	shalt  }
0x84: {  	_ =	shalt  }
0x85: {  	_ =	shalt  }
0x86: {  	_ =	shalt  }
0x87: {  	_ =	shalt  }
.Lfunc_end0:
.L_simem_size_0:
called_computation.1_lowered:
.L_overlay_start_0:
0x88: {  	s2 =	sld [smem:$0x3FD9]  }
0x89: {  	s3 =	sld [smem:$0x3FFE];
	_ =	sdelay $0x1  }
0x8a: {  	s1 =	srdreg.scid  }
0x8b: {  	s0 =	sand.u32 $0x1, s1  }
0x8c: {  	s14 =	sshll.u32 s0, $0xA;
	s2 =	sadd.s32 s3, s2  }
0x8d: {  	s2 =	sadd.s32 s2, s14  }
0x8e: {  	[smem:$0x3FC3] =	sst s2  }
0x8f: {  	_ = 	snop  }
0x90: {  	s2 =	sld [smem:$0x3FD0];
	_ =	sdelay $0x2  }
0x91: {  	s15 =	simm.s32 $0xA;
	s4 =	simm.s32 $0x10  }
0x92: {  	[smem:s4], [sflag:s15] =	dma.local [hbm:s2], $0x1  }
0x93: {  	_ =	swait.eq [sflag:s15], $0x1  }
0x94: {  	[sflag:s15] =	ssyncset.done $0x0  }
0x95: {  	[sflag:s15] =	ssyncadd.s32 $0xFFFFFFFF  }
0x96: {  	s16 =	sld [smem:$0x10];
	(tm) =	ssettm $0x1  }
0x97: {  	s17 =	sld [smem:$0x3FFB];
	_ =	sdelay $0x3  }
0x98: {  	_ =	strace s17  }
0x99: {  	s3 =	sld [smem:$0x3FFC];
	_ =	sdelay $0x3  }
0x9a: {  	_ =	strace s3  }
0x9b: {  	s3 =	sld [smem:$0x3FFD];
	_ =	sdelay $0x3  }
0x9c: {  	_ =	strace s3  }
0x9d: {  	_ =	strace $0x8FFFFFFF  }
0x9e: {  	s18 =	sld [smem:$0x3FDB];
	_ =	sdelay $0x1  }
0x9f: {  	s19 =	simm.s32 $_scs_section_size  }
0xa0: {  	s5 =	simm.s32 $_size__tile_overlayer_lowered;
	s6 =	simm.s32 $_tile_overlayer_lowered  }
0xa1: {  	s22 =	simm.s32 $0x1BFF;
	s21 =	sshll.u32 s6, $0x1;
	s3 =	sadd.s32 s19, s18  }
0xa2: {  	s7 =	simm.s32 $0x0;
	s20 =	sshll.u32 s5, $0x1;
	s5 =	sadd.s32 s21, s3  }
0xa3: {  	[timem:s7], [sflag:s22] =	dma.local [hbm:s5], s20  }
0xa4: {  	_ =	swait.ge [sflag:s22], s20  }
0xa5: {  	s4 =	ssub.s32 $0x0, s20;
	[sflag:s22] =	ssyncset.done $0x0  }
0xa6: {  	[sflag:s22] =	ssyncadd.s32 s4;
	_ =	sdelay $0x1  }
0xa7: {  	s23 =	simm.s32 $0x1B8B  }
0xa8: {  	_ =	swait.ge [sflag:s23], $0x1  }
0xa9: {  	[sflag:s23] =	ssyncset.done $0x0  }
0xaa: {  	s25 =	simm.s32 $0x1B8E;
	s24 =	sld [smem:$0x3FFE];
	[sflag:s23] =	ssyncadd.s32 $0xFFFFFFFF  }
0xab: {  	s26 =	simm.s32 $execute0_lowered;
	[smem:$0x3FD2] =	sst s25  }
0xac: {  	s5 =	sshll.u32 s26, $0x1;
	_ =	strace $0x80000049;
	[dreg:$0x1] =	wrdreg $0xFFFFFFFF  }
0xad: {  	s28 =	simm.s32 $_size_execute0_lowered;
	s3 =	sadd.s32 s3, s5;
	[dreg:$0x0] =	wrdreg $0x0  }
0xae: {  	s5 =	sshll.u32 s28, $0x1;
	[dreg:$0x2] =	wrdreg s3  }
0xaf: {  	[dreg:$0x3] =	wrdreg s5  }
0xb0: {  	[dreg:$0x4] =	wrdreg $0xC0  }
0xb1: {  	_ =	task [dreg:s7], $0x5FFFF  }
0xb2: {  	[dreg:$0x1] =	wrdreg $0xFFFFFFFF  }
0xb3: {  	[dreg:$0x0] =	wrdreg $0x60  }
0xb4: {  	[dreg:$0x2] =	wrdreg s24  }
0xb5: {  	[dreg:$0x3] =	wrdreg s16  }
0xb6: {  	[dreg:$0x4] =	wrdreg $0x9  }
0xb7: {  	_ =	task.clear_ibuf [dreg:s7], $0x5FFFF;
	_ =	strace $0x90000049  }
0xb8: {  	s29 =	simm.s32 $0x9;
	_ =	strace $0x8000004B  }
0xb9: {  	_ =	swait.ge [sflag:s29], $0x1  }
0xba: {  	[sflag:s29] =	ssyncadd.s32 $0xFFFFFFFF  }
0xbb: {  	_ =	strace $0x9000004B  }
0xbc: {  	_ =	sfence  }
0xbd: {  	s30 =	sld [smem:$0x0];
	_ =	sdelay $0x2  }
0xbe: {  	s31 =	sshll.u32 s1, $0xD;
	s1 =	sshrl.u32 s1, $0x2  }
0xbf: {  	s3 =	sand.u32 $0x4000, s31;
	s1 =	sadd.s32 s1, s30  }
0xc0: {  	s0 =	sor.u32 s3, s0;
	s1 =	sshll.u32 s1, $0x11  }
0xc1: {  	s0 =	sor.u32 s1, s0  }
0xc2: {  	s0 =	sadd.s32 $0x8F2B, s0  }
0xc3: {  	[sflag:s0] =	ssyncadd.remote.s32 $0x1  }
0xc4: {  	_ =	sfence.sel $0xFFFF  }
0xc5: {  	[dreg:$0x0] =	wrdreg $0xFFFFFFFF;
	(pc) =	sbr.abs _section_cstart, $3  }
0xc6: {  	[dreg:$0x1] =	wrdreg $0xFFFFFFFF  }
0xc7: {  	_ =	task.clear_ibuf [dreg:s7], $0x2FFFF;
	_ =	strace $0x9FFFFFFF  }
0xc8: {  	(tm) =	ssettm $0x7FFFFFFF  }
0xc9: {  	_ =	shalt  }
tec
execute0_lowered:
.L_overlay_start_1:
0x0: {  	(tag) =	ssettag $0x1  }
0x1: {  	s0 =	srdreg.scid;
	s1 =	rddreg [dreg:$0x0]  }
0x2: {  	s2 =	stileid.u32;
	s5 =	rddreg [dreg:$0x1]  }
0x3: {  	s10 =	simm.s32 $0x3;
	s12 =	simm.s32 $0x100;
	s29 =	simm.s32 $0x12900  }
0x4: {  	s30 =	simm.s32 $0x13100;
	s31 =	simm.s32 $0x13900;
	s11 =	simm.s32 $0x15100  }
0x5: {  	s13 =	simm.s32 $0x15900;
	s14 =	simm.s32 $0x16100;
	s15 =	simm.s32 $0x16900  }
0x6: {  	s16 =	simm.s32 $0x17100;
	s17 =	simm.s32 $0x17900;
	s18 =	simm.s32 $0x1  }
0x7: {  	s19 =	simm.s32 $0x2;
	s20 =	simm.s32 $0x0;
	s0 =	sand.u32 $0x1, s0  }
0x8: {  	s3 =	sshll.u32 s2, $0x4;
	s2 =	simm.s32 $0x0;
	s4 =	sshll.u32 s0, $0x3  }
0x9: {  	[smem:$0x7FF] =	sst s2;
	s0 =	ssub.s32 $0x2, s0;
	s6 =	sor.u32 s4, s3  }
0xa: {  	_ =	strace $0x8000004A;
	s3 =	sadd.s32 $0x400, s1;
	s28 =	sshrl.u32 s0, $0x1  }
0xb: {  	s4 =	smul.u32 $0x300, s6;
	s7 =	sadd.s32 s6, s1;
	s0 =	ssub.s32 s0, s28  }
0xc: {  	v2 =	vlaneseq.u32;
	s5 =	sadd.s32 s5, s6;
	s6 =	sadd.s32 $0x500, s1;
	s9 =	smax.u32 s0, $0x1  }
0xd: {  	vm0 =	vmmov $0xffff;
	v1 =	vshrl.u32 v2, $0x3;
	s0 =	simm.s32 $0x14900;
	s8 =	sadd.s32 s4, s1;
	s4 =	sadd.s32 $0x200, s7  }
0xe: {  	v0 =	vand.u32 $0x7, v2;
	v2 =	vor.u32 $0x8, v2;
	v1 =	vmul.u32 $0x8, v1;
	s7 =	sadd.s32 $0x600, s1;
	s1 =	simm.s32 $0x14100;
	s8 =	sadd.s32 $0x90400, s8  }
.LBB2_1:
0xf: {  	[tilespmem:s2], [sflag:$0x3] =	stream.linear.gather [hbm4b:s4+s2], $0x40, $0x38;
	[tilespmem:$0x18100] =	vst v63  }
0x10: {  	_ =	swait.ge [sflag:s10], $0x40  }
0x11: {  	[sflag:s10] =	ssyncset.done $0x0  }
0x12: {  	s21 =	simm.s32 $0x80;
	[sflag:s10] =	ssyncadd.s32 $0xFFFFFFC0  }
0x13: {  	[tilespmem:s21], [sflag:$0x3] =	stream.linear.gather [hbm4b:s5+s2], $0x40, $0x38;
	[tilespmem:$0x18100] =	vst v63  }
0x14: {  	_ =	swait.ge [sflag:s10], $0x40  }
0x15: {  	[sflag:s10] =	ssyncset.done $0x0  }
0x16: {  	[sflag:s10] =	ssyncadd.s32 $0xFFFFFFC0  }
0x17: {  	v3 =	vld [tilespmem:$0x0];
	_ =	sdelay $0x4  }
0x18: {  	v4 =	vshrl.u32 v3, $0x3  }
0x19: {  	v4 =	vmul.u32 $0x30, v4  }
0x1a: {  	v3 =	vand.u32 $0x7, v3  }
0x1b: {  	v3 =	vor.u32 v3, v4  }
0x1c: {  	v4 =	vperm.xlane v3, v0;
	_ =	sdelay $0x1  }
0x1d: {  	v4 =	vadd.s32 v1, v4;
	_ =	sdelay $0x3  }
0x1e: {  	v3 =	vperm.xlane v3, v2  }
0x1f: {  	[tilespmem:s12], [sflag:$0x1] =	stream.indirect_vreg.gather [hbm4b:s3+s2], $0x80, v4, vm0, $0xb8;
	[tilespmem:$0x18100] =	vst v63  }
0x20: {  	s22 =	simm.s32 $0x900;
	v3 =	vadd.s32 v1, v3  }
0x21: {  	[tilespmem:s22], [sflag:$0x1] =	stream.indirect_vreg.gather [hbm4b:s6+s2], $0x80, v4, vm0, $0xb8;
	[tilespmem:$0x18100] =	vst v63  }
0x22: {  	s23 =	simm.s32 $0x1100  }
0x23: {  	[tilespmem:s23], [sflag:$0x1] =	stream.indirect_vreg.gather [hbm4b:s7+s2], $0x80, v4, vm0, $0xb8;
	[tilespmem:$0x18100] =	vst v63  }
0x24: {  	s24 =	simm.s32 $0x1900  }
0x25: {  	[tilespmem:s24], [sflag:$0x1] =	stream.indirect_vreg.gather [hbm4b:s3+s2], $0x80, v3, vm0, $0xb8;
	[tilespmem:$0x18100] =	vst v63  }
0x26: {  	s25 =	simm.s32 $0x2100  }
0x27: {  	[tilespmem:s25], [sflag:$0x1] =	stream.indirect_vreg.gather [hbm4b:s6+s2], $0x80, v3, vm0, $0xb8;
	[tilespmem:$0x18100] =	vst v63  }
0x28: {  	s26 =	simm.s32 $0x2900  }
0x29: {  	[tilespmem:s26], [sflag:$0x1] =	stream.indirect_vreg.gather [hbm4b:s7+s2], $0x80, v3, vm0, $0xb8;
	[tilespmem:$0x18100] =	vst v63  }
0x2a: {  	v3 =	vld [tilespmem:$0x10];
	_ =	sdelay $0x4  }
0x2b: {  	v57 =	vshrl.u32 v3, $0x3  }
0x2c: {  	v4 =	vmul.u32 $0x30, v57  }
0x2d: {  	v3 =	vand.u32 $0x7, v3  }
0x2e: {  	v3 =	vor.u32 v3, v4  }
0x2f: {  	v4 =	vperm.xlane v3, v0;
	_ =	sdelay $0x1  }
0x30: {  	v4 =	vadd.s32 v1, v4;
	_ =	sdelay $0x3  }
0x31: {  	s28 =	simm.s32 $0x3100;
	v3 =	vperm.xlane v3, v2  }
0x32: {  	[tilespmem:s28], [sflag:$0x1] =	stream.indirect_vreg.gather [hbm4b:s3+s2], $0x80, v4, vm0, $0xb8;
	[tilespmem:$0x18100] =	vst v63  }
0x33: {  	s22 =	simm.s32 $0x3900;
	v3 =	vadd.s32 v1, v3  }
0x34: {  	[tilespmem:s22], [sflag:$0x1] =	stream.indirect_vreg.gather [hbm4b:s6+s2], $0x80, v4, vm0, $0xb8;
	[tilespmem:$0x18100] =	vst v63  }
0x35: {  	s23 =	simm.s32 $0x4100  }
0x36: {  	[tilespmem:s23], [sflag:$0x1] =	stream.indirect_vreg.gather [hbm4b:s7+s2], $0x80, v4, vm0, $0xb8;
	[tilespmem:$0x18100] =	vst v63  }
0x37: {  	s24 =	simm.s32 $0x4900  }
0x38: {  	[tilespmem:s24], [sflag:$0x1] =	stream.indirect_vreg.gather [hbm4b:s3+s2], $0x80, v3, vm0, $0xb8;
	[tilespmem:$0x18100] =	vst v63  }
0x39: {  	s25 =	simm.s32 $0x5100  }
0x3a: {  	[tilespmem:s25], [sflag:$0x1] =	stream.indirect_vreg.gather [hbm4b:s6+s2], $0x80, v3, vm0, $0xb8;
	[tilespmem:$0x18100] =	vst v63  }
0x3b: {  	s26 =	simm.s32 $0x5900  }
0x3c: {  	[tilespmem:s26], [sflag:$0x1] =	stream.indirect_vreg.gather [hbm4b:s7+s2], $0x80, v3, vm0, $0xb8;
	[tilespmem:$0x18100] =	vst v63  }
0x3d: {  	v3 =	vld [tilespmem:$0x20];
	_ =	sdelay $0x4  }
0x3e: {  	v58 =	vshrl.u32 v3, $0x3  }
0x3f: {  	v4 =	vmul.u32 $0x30, v58  }
0x40: {  	v3 =	vand.u32 $0x7, v3  }
0x41: {  	v3 =	vor.u32 v3, v4  }
0x42: {  	v4 =	vperm.xlane v3, v0;
	_ =	sdelay $0x1  }
0x43: {  	v4 =	vadd.s32 v1, v4;
	_ =	sdelay $0x3  }
0x44: {  	s28 =	simm.s32 $0x6100;
	v3 =	vperm.xlane v3, v2  }
0x45: {  	[tilespmem:s28], [sflag:$0x1] =	stream.indirect_vreg.gather [hbm4b:s3+s2], $0x80, v4, vm0, $0xb8;
	[tilespmem:$0x18100] =	vst v63  }
0x46: {  	s22 =	simm.s32 $0x6900;
	v3 =	vadd.s32 v1, v3  }
0x47: {  	[tilespmem:s22], [sflag:$0x1] =	stream.indirect_vreg.gather [hbm4b:s6+s2], $0x80, v4, vm0, $0xb8;
	[tilespmem:$0x18100] =	vst v63  }
0x48: {  	s23 =	simm.s32 $0x7100  }
0x49: {  	[tilespmem:s23], [sflag:$0x1] =	stream.indirect_vreg.gather [hbm4b:s7+s2], $0x80, v4, vm0, $0xb8;
	[tilespmem:$0x18100] =	vst v63  }
0x4a: {  	s24 =	simm.s32 $0x7900  }
0x4b: {  	[tilespmem:s24], [sflag:$0x1] =	stream.indirect_vreg.gather [hbm4b:s3+s2], $0x80, v3, vm0, $0xb8;
	[tilespmem:$0x18100] =	vst v63  }
0x4c: {  	s25 =	simm.s32 $0x8100  }
0x4d: {  	[tilespmem:s25], [sflag:$0x1] =	stream.indirect_vreg.gather [hbm4b:s6+s2], $0x80, v3, vm0, $0xb8;
	[tilespmem:$0x18100] =	vst v63  }
0x4e: {  	s26 =	simm.s32 $0x8900  }
0x4f: {  	[tilespmem:s26], [sflag:$0x1] =	stream.indirect_vreg.gather [hbm4b:s7+s2], $0x80, v3, vm0, $0xb8;
	[tilespmem:$0x18100] =	vst v63  }
0x50: {  	v3 =	vld [tilespmem:$0x30];
	_ =	sdelay $0x4  }
0x51: {  	v59 =	vshrl.u32 v3, $0x3  }
0x52: {  	v4 =	vmul.u32 $0x30, v59  }
0x53: {  	v3 =	vand.u32 $0x7, v3  }
0x54: {  	v3 =	vor.u32 v3, v4  }
0x55: {  	v4 =	vperm.xlane v3, v0;
	_ =	sdelay $0x1  }
0x56: {  	v4 =	vadd.s32 v1, v4;
	_ =	sdelay $0x3  }
0x57: {  	s28 =	simm.s32 $0x9100;
	v3 =	vperm.xlane v3, v2  }
0x58: {  	[tilespmem:s28], [sflag:$0x1] =	stream.indirect_vreg.gather [hbm4b:s3+s2], $0x80, v4, vm0, $0xb8;
	[tilespmem:$0x18100] =	vst v63  }
0x59: {  	s22 =	simm.s32 $0x9900;
	v3 =	vadd.s32 v1, v3  }
0x5a: {  	[tilespmem:s22], [sflag:$0x1] =	stream.indirect_vreg.gather [hbm4b:s6+s2], $0x80, v4, vm0, $0xb8;
	[tilespmem:$0x18100] =	vst v63  }
0x5b: {  	s23 =	simm.s32 $0xA100  }
0x5c: {  	[tilespmem:s23], [sflag:$0x1] =	stream.indirect_vreg.gather [hbm4b:s7+s2], $0x80, v4, vm0, $0xb8;
	[tilespmem:$0x18100] =	vst v63  }
0x5d: {  	s24 =	simm.s32 $0xA900  }
0x5e: {  	[tilespmem:s24], [sflag:$0x1] =	stream.indirect_vreg.gather [hbm4b:s3+s2], $0x80, v3, vm0, $0xb8;
	[tilespmem:$0x18100] =	vst v63  }
0x5f: {  	s25 =	simm.s32 $0xB100  }
0x60: {  	[tilespmem:s25], [sflag:$0x1] =	stream.indirect_vreg.gather [hbm4b:s6+s2], $0x80, v3, vm0, $0xb8;
	[tilespmem:$0x18100] =	vst v63  }
0x61: {  	s26 =	simm.s32 $0xB900  }
0x62: {  	[tilespmem:s26], [sflag:$0x1] =	stream.indirect_vreg.gather [hbm4b:s7+s2], $0x80, v3, vm0, $0xb8;
	[tilespmem:$0x18100] =	vst v63  }
0x63: {  	v3 =	vld [tilespmem:$0x80];
	_ =	sdelay $0x4  }
0x64: {  	v60 =	vshrl.u32 v3, $0x3  }
0x65: {  	v4 =	vmul.u32 $0x30, v60  }
0x66: {  	v3 =	vand.u32 $0x7, v3  }
0x67: {  	v3 =	vor.u32 v3, v4  }
0x68: {  	v4 =	vperm.xlane v3, v0;
	_ =	sdelay $0x1  }
0x69: {  	v4 =	vadd.s32 v1, v4;
	_ =	sdelay $0x3  }
0x6a: {  	s28 =	simm.s32 $0xC100;
	v3 =	vperm.xlane v3, v2  }
0x6b: {  	[tilespmem:s28], [sflag:$0x2] =	stream.indirect_vreg.gather [hbm4b:s3+s2], $0x80, v4, vm0, $0xb8;
	[tilespmem:$0x18100] =	vst v63  }
0x6c: {  	s22 =	simm.s32 $0xC900;
	v3 =	vadd.s32 v1, v3  }
0x6d: {  	[tilespmem:s22], [sflag:$0x2] =	stream.indirect_vreg.gather [hbm4b:s6+s2], $0x80, v4, vm0, $0xb8;
	[tilespmem:$0x18100] =	vst v63  }
0x6e: {  	s23 =	simm.s32 $0xD100  }
0x6f: {  	[tilespmem:s23], [sflag:$0x2] =	stream.indirect_vreg.gather [hbm4b:s7+s2], $0x80, v4, vm0, $0xb8;
	[tilespmem:$0x18100] =	vst v63  }
0x70: {  	s24 =	simm.s32 $0xD900  }
0x71: {  	[tilespmem:s24], [sflag:$0x2] =	stream.indirect_vreg.gather [hbm4b:s3+s2], $0x80, v3, vm0, $0xb8;
	[tilespmem:$0x18100] =	vst v63  }
0x72: {  	s25 =	simm.s32 $0xE100  }
0x73: {  	[tilespmem:s25], [sflag:$0x2] =	stream.indirect_vreg.gather [hbm4b:s6+s2], $0x80, v3, vm0, $0xb8;
	[tilespmem:$0x18100] =	vst v63  }
0x74: {  	s26 =	simm.s32 $0xE900  }
0x75: {  	[tilespmem:s26], [sflag:$0x2] =	stream.indirect_vreg.gather [hbm4b:s7+s2], $0x80, v3, vm0, $0xb8;
	[tilespmem:$0x18100] =	vst v63  }
0x76: {  	v3 =	vld [tilespmem:$0x90];
	_ =	sdelay $0x4  }
0x77: {  	v61 =	vshrl.u32 v3, $0x3  }
0x78: {  	v4 =	vmul.u32 $0x30, v61  }
0x79: {  	v3 =	vand.u32 $0x7, v3  }
0x7a: {  	v3 =	vor.u32 v3, v4  }
0x7b: {  	v4 =	vperm.xlane v3, v0;
	_ =	sdelay $0x1  }
0x7c: {  	v4 =	vadd.s32 v1, v4;
	_ =	sdelay $0x3  }
0x7d: {  	s28 =	simm.s32 $0xF100;
	v3 =	vperm.xlane v3, v2  }
0x7e: {  	[tilespmem:s28], [sflag:$0x2] =	stream.indirect_vreg.gather [hbm4b:s3+s2], $0x80, v4, vm0, $0xb8;
	[tilespmem:$0x18100] =	vst v63  }
0x7f: {  	s22 =	simm.s32 $0xF900;
	v3 =	vadd.s32 v1, v3  }
0x80: {  	[tilespmem:s22], [sflag:$0x2] =	stream.indirect_vreg.gather [hbm4b:s6+s2], $0x80, v4, vm0, $0xb8;
	[tilespmem:$0x18100] =	vst v63  }
0x81: {  	s23 =	simm.s32 $0x10100  }
0x82: {  	[tilespmem:s23], [sflag:$0x2] =	stream.indirect_vreg.gather [hbm4b:s7+s2], $0x80, v4, vm0, $0xb8;
	[tilespmem:$0x18100] =	vst v63  }
0x83: {  	s24 =	simm.s32 $0x10900  }
0x84: {  	[tilespmem:s24], [sflag:$0x2] =	stream.indirect_vreg.gather [hbm4b:s3+s2], $0x80, v3, vm0, $0xb8;
	[tilespmem:$0x18100] =	vst v63  }
0x85: {  	s25 =	simm.s32 $0x11100  }
0x86: {  	[tilespmem:s25], [sflag:$0x2] =	stream.indirect_vreg.gather [hbm4b:s6+s2], $0x80, v3, vm0, $0xb8;
	[tilespmem:$0x18100] =	vst v63  }
0x87: {  	s26 =	simm.s32 $0x11900  }
0x88: {  	[tilespmem:s26], [sflag:$0x2] =	stream.indirect_vreg.gather [hbm4b:s7+s2], $0x80, v3, vm0, $0xb8;
	[tilespmem:$0x18100] =	vst v63  }
0x89: {  	v3 =	vld [tilespmem:$0xA0];
	_ =	sdelay $0x4  }
0x8a: {  	v62 =	vshrl.u32 v3, $0x3  }
0x8b: {  	v4 =	vmul.u32 $0x30, v62  }
0x8c: {  	v3 =	vand.u32 $0x7, v3  }
0x8d: {  	v3 =	vor.u32 v3, v4  }
0x8e: {  	v4 =	vperm.xlane v3, v0;
	_ =	sdelay $0x1  }
0x8f: {  	v4 =	vadd.s32 v1, v4;
	_ =	sdelay $0x3  }
0x90: {  	s28 =	simm.s32 $0x12100;
	v3 =	vperm.xlane v3, v2  }
0x91: {  	[tilespmem:s28], [sflag:$0x2] =	stream.indirect_vreg.gather [hbm4b:s3+s2], $0x80, v4, vm0, $0xb8;
	[tilespmem:$0x18100] =	vst v63  }
0x92: {  	v3 =	vadd.s32 v1, v3  }
0x93: {  	[tilespmem:s29], [sflag:$0x2] =	stream.indirect_vreg.gather [hbm4b:s6+s2], $0x80, v4, vm0, $0xb8;
	[tilespmem:$0x18100] =	vst v63  }
0x94: {  	_ = 	snop  }
0x95: {  	[tilespmem:s30], [sflag:$0x2] =	stream.indirect_vreg.gather [hbm4b:s7+s2], $0x80, v4, vm0, $0xb8;
	[tilespmem:$0x18100] =	vst v63  }
0x96: {  	_ = 	snop  }
0x97: {  	[tilespmem:s31], [sflag:$0x2] =	stream.indirect_vreg.gather [hbm4b:s3+s2], $0x80, v3, vm0, $0xb8;
	[tilespmem:$0x18100] =	vst v63  }
0x98: {  	_ = 	snop  }
0x99: {  	[tilespmem:s1], [sflag:$0x2] =	stream.indirect_vreg.gather [hbm4b:s6+s2], $0x80, v3, vm0, $0xb8;
	[tilespmem:$0x18100] =	vst v63  }
0x9a: {  	_ = 	snop  }
0x9b: {  	[tilespmem:s0], [sflag:$0x2] =	stream.indirect_vreg.gather [hbm4b:s7+s2], $0x80, v3, vm0, $0xb8;
	[tilespmem:$0x18100] =	vst v63  }
0x9c: {  	v3 =	vld [tilespmem:$0xB0];
	_ =	sdelay $0x4  }
0x9d: {  	v63 =	vshrl.u32 v3, $0x3  }
0x9e: {  	v4 =	vmul.u32 $0x30, v63  }
0x9f: {  	v3 =	vand.u32 $0x7, v3  }
0xa0: {  	v3 =	vor.u32 v3, v4  }
0xa1: {  	v4 =	vperm.xlane v3, v0;
	_ =	sdelay $0x1  }
0xa2: {  	v4 =	vadd.s32 v1, v4;
	_ =	sdelay $0x3  }
0xa3: {  	v3 =	vperm.xlane v3, v2  }
0xa4: {  	[tilespmem:s11], [sflag:$0x2] =	stream.indirect_vreg.gather [hbm4b:s3+s2], $0x80, v4, vm0, $0xb8;
	[tilespmem:$0x18100] =	vst v63  }
0xa5: {  	v3 =	vadd.s32 v1, v3  }
0xa6: {  	[tilespmem:s13], [sflag:$0x2] =	stream.indirect_vreg.gather [hbm4b:s6+s2], $0x80, v4, vm0, $0xb8;
	[tilespmem:$0x18100] =	vst v63  }
0xa7: {  	_ = 	snop  }
0xa8: {  	[tilespmem:s14], [sflag:$0x2] =	stream.indirect_vreg.gather [hbm4b:s7+s2], $0x80, v4, vm0, $0xb8;
	[tilespmem:$0x18100] =	vst v63  }
0xa9: {  	_ = 	snop  }
0xaa: {  	[tilespmem:s15], [sflag:$0x2] =	stream.indirect_vreg.gather [hbm4b:s3+s2], $0x80, v3, vm0, $0xb8;
	[tilespmem:$0x18100] =	vst v63  }
0xab: {  	_ = 	snop  }
0xac: {  	[tilespmem:s16], [sflag:$0x2] =	stream.indirect_vreg.gather [hbm4b:s6+s2], $0x80, v3, vm0, $0xb8;
	[tilespmem:$0x18100] =	vst v63  }
0xad: {  	_ = 	snop  }
0xae: {  	[tilespmem:s17], [sflag:$0x2] =	stream.indirect_vreg.gather [hbm4b:s7+s2], $0x80, v3, vm0, $0xb8;
	[tilespmem:$0x18100] =	vst v63  }
0xaf: {  	_ =	swait.ge [sflag:s18], $0xC000  }
0xb0: {  	[sflag:s18] =	ssyncset.done $0x0  }
0xb1: {  	[sflag:s18] =	ssyncadd.s32 $0xFFFF4000  }
0xb2: {  	_ =	swait.ge [sflag:s19], $0xC000  }
0xb3: {  	[sflag:s19] =	ssyncset.done $0x0  }
0xb4: {  	s21 =	simm.s32 $0x0;
	[sflag:s19] =	ssyncadd.s32 $0xFFFF4000  }
.LBB2_2:
0xb5: {  	s22 =	sshrl.u32 s21, $0x3  }
0xb6: {  	s23 =	sshll.u32 s21, $0x7;
	s22 =	smul.u32 $0x1800, s22  }
0xb7: {  	s24 =	simm.s32 $0x0;
	s23 =	sand.u32 $0x380, s23  }
0xb8: {  	s26 =	sand.u32 $0x1C00, s24;
	s22 =	sor.u32 s23, s22  }
0xb9: {  	s24 =	sand.u32 $0x70, s24;
	s23 =	sadd.s32 s22, s26  }
0xba: {  	s23 =	sor.u32 s24, s23  }
0xbb: {  	v3 =	vld [tilespmem:s23+$0xC100]  }
0xbc: {  	v4 =	vld [tilespmem:s23+$0x100];
	_ =	sdelay $0x2  }
0xbd: {  	s24 =	simm.s32 $0x80  }
0xbe: {  	s25 =	simm.s32 $0x10;
	s28 =	sand.u32 $0x1C00, s24  }
0xbf: {  	s26 =	sand.u32 $0x70, s25;
	s25 =	simm.s32 $0x20;
	s28 =	sadd.s32 s22, s28;
	v3 =	vadd.f32 v3, v4  }
.LBB2_3:
0xc0: {  	p0 =	sne.s32 s25, $0x2F0;
	s26 =	sor.u32 s26, s28  }
0xc1: {  	v4 =	vld [tilespmem:s26+$0xC100];
	[tilespmem:s23+$0x100] =	vst v3;
	s23 =	smov.u32 s26  }
0xc2: {  	v3 =	vld [tilespmem:s23+$0x100]  }
.Ltmp0:
0xc3: {  	(pc) =	sbr.rel @p0 .LBB2_3-.Ltmp0, $4  }
0xc4: {  	_ = 	snop  }
0xc5: {  	s24 =	sadd.s32 $0x80, s24  }
0xc6: {  	s28 =	sand.u32 $0x1C00, s24  }
0xc7: {  	s26 =	sand.u32 $0x70, s25;
	s25 =	sadd.s32 $0x10, s25;
	s28 =	sadd.s32 s22, s28;
	v3 =	vadd.f32 v4, v3  }
0xc8: {  	s22 =	sor.u32 s26, s28  }
0xc9: {  	v4 =	vld [tilespmem:s22+$0xC100];
	[tilespmem:s23+$0x100] =	vst v3  }
0xca: {  	v3 =	vld [tilespmem:s22+$0x100]  }
0xcb: {  	s21 =	sadd.s32 $0x1, s21  }
0xcc: {  	p0 =	sne.s32 s21, $0x40  }
.Ltmp1:
0xcd: {  	_ = 	snop;
	(pc) =	sbr.rel @p0 .LBB2_2-.Ltmp1, $3  }
0xce: {  	_ = 	snop  }
0xcf: {  	v3 =	vadd.f32 v4, v3;
	_ =	sdelay $0x1  }
0xd0: {  	[tilespmem:s22+$0x100] =	vst v3  }
0xd1: {  	s20 =	sadd.s32 $0x1, s20  }
0xd2: {  	p0 =	sne.s32 s20, s9  }
.Ltmp2:
0xd3: {  	_ = 	snop;
	(pc) =	sbr.rel @p0 .LBB2_1-.Ltmp2, $4  }
0xd4: {  	[hbm4b:s8+s2] =	stream.linear.scatter [tilespmem:s12], [sflag:$0x3], $0xC000, $0x38;
	[tilespmem:$0x18100] =	vst v63  }
0xd5: {  	_ =	swait.ge [sflag:s10], $0xC000  }
0xd6: {  	[sflag:s10] =	ssyncset.done $0x0  }
0xd7: {  	[sflag:s10] =	ssyncadd.s32 $0xFFFF4000  }
0xd8: {  	_ =	sfence.sel $0x180000  }
0xd9: {  	[bflag:$0x0] =	sbarrier.arrive $0xFFFF  }
0xda: {  	_ =	strace $0x9000004A  }
0xdb: {  	s0 =	stileid.u32;
	[bflag:$0x2] =	sbarrier.arrive $0xFFFF  }
0xdc: {  	p0 =	sne.s32 s0, $0x0;
	s0 =	rddreg [dreg:$0x2]  }
0xdd: {  	s0 =	sadd.s32 @!p0 $0x100000, s0  }
0xde: {  	[sflag:s0] =	ssyncadd.tile.s32 @!p0 $0x1;
	_ =	shalt  }
.Lfunc_end2:
_tile_overlayer_lowered:
.L_overlay_start_2:
0xdf: {  	(tag) =	ssettag $0x2  }
0xe0: {  	s0 =	rddreg [dreg:$0x0];
	s2 =	stileid.u32  }
0xe1: {  	s1 =	rddreg [dreg:$0x1];
	p0 =	sne.s32 s2, $0x0  }
0xe2: {  	s3 =	rddreg [dreg:$0x2];
	[bflag:$0x3] =	sbarrier.arrive $0xFFFF;
	s2 =	simm.s32 @!p0 $0x1C03  }
0xe3: {  	[timem:s3], [sflag:s2] =	dma.local @!p0 [hbm:s0], s1  }
0xe4: {  	s0 =	simm.s32 @!p0 $0x3  }
0xe5: {  	_ =	swait.ge @!p0 [sflag:s0], s1  }
0xe6: {  	s1 =	ssub.s32 @!p0 $0x0, s1;
	[sflag:s0] =	ssyncset.done @!p0 $0x0  }
0xe7: {  	[sflag:s0] =	ssyncadd.s32 @!p0 s1  }
0xe8: {  	[bflag:$0x3] =	sbarrier.arrive $0xFFFF  }
0xe9: {  	_ =	shalt  }

// kernel: gather_offload_async_start
scs
__scs_entry_jumppad:
0x0: {  	(pc) =	sbr.rel $0x88, $3  }
0x1: {  	(tag) =	ssettag $0x0;
	lr =	simm.s32 $0x1  }
0x2: {  	[smem:$0x3F9C] =	sst lr;
	_ =	strace $0xD0000000  }
0x3: {  	_ = 	snop  }
0x4: {  	_ = 	snop  }
0x5: {  	_ = 	snop  }
0x6: {  	_ = 	snop  }
0x7: {  	_ = 	snop  }
__scs_overlays_trampoline_lowered:
0x8: {  	[smem:$0x3FAB] =	sst s0  }
0x9: {  	[smem:$0x3FAC] =	sst s1  }
0xa: {  	[smem:$0x3FAD] =	sst s2  }
0xb: {  	[smem:$0x3FAE] =	sst s3  }
0xc: {  	[smem:$0x3FAF] =	sst s4  }
0xd: {  	[smem:$0x3FB0] =	sst s5  }
0xe: {  	[smem:$0x3FB1] =	sst s6  }
0xf: {  	[smem:$0x3FB2] =	sst s7  }
0x10: {  	[smem:$0x3FB3] =	sst s8  }
0x11: {  	[smem:$0x3FB4] =	sst s9;
	s0 =	simm.s32 @!p0 $0x0  }
0x12: {  	s1 =	sld [smem:$0x3F9A];
	s0 =	simm.s32 @p0 $0x1  }
0x13: {  	[smem:$0x3FB5] =	sst s0;
	s0 =	simm.s32 @!p1 $0x0  }
0x14: {  	s2 =	sld [smem:$0x3F99];
	s0 =	simm.s32 @p1 $0x1  }
0x15: {  	[smem:$0x3FB6] =	sst s0;
	s0 =	simm.s32 @!p2 $0x0  }
0x16: {  	s3 =	sld [smem:$0x3FDB];
	s0 =	simm.s32 @p2 $0x1  }
0x17: {  	s4 =	simm.s32 $0x1BF5;
	[smem:$0x3FB8] =	sst s0  }
0x18: {  	s0 =	sld [smem:$0x3F9B];
	_ =	swait.ge [sflag:s4], $0x0  }
0x19: {  	s7 =	sld [smem:$0x3F9C]  }
0x1a: {  	s8 =	sadd.s32 $0xFFFFE003, lr  }
0x1b: {  	s9 =	sadd.s32 $0xFFFFFEF7, lr;
	s5 =	simm.s32 $0xFFFFFFFF;
	p2 =	slt.u32 s8, $0xFFFFF086  }
0x1c: {  	p1 =	slt.u32 s9, $0xF7A;
	s5 =	simm.s32 @!p2 $0x0  }
0x1d: {  	s5 =	simm.s32 @p1 $0x1;
	p0 =	seq.s32 s7, s2  }
0x1e: {  	s7 =	smul.u32 @!p0 $0xF7A, s2;
	p2 =	seq.s32 @!p0 s5, $0x0  }
0x1f: {  	s9 =	smul.u32 $0xF7A, s1;
	s8 =	simm.s32 @!p0 $0x1BF5;
	p2 =	por !p2, p0  }
0x20: {  	[sflag:s8] =	ssyncset.s32 @!p0 $0xFFFFF086;
	s6 =	sadd.s32 @!p0 s3, s7;
	s7 =	simm.s32 @!p0 $0x108  }
0x21: {  	s3 =	sadd.s32 s3, s9;
	s6 =	sadd.s32 @!p0 $0x88, s6;
	s7 =	simm.s32 @p2 $0x1082  }
0x22: {  	[simem:s7], [sflag:s8] =	dma.local @!p0 [hbm:s6], $0xF7A  }
0x23: {  	s9 =	sor.u32 $0xD0000000, s2;
	s6 =	simm.s32 $0x108;
	_ =	swait.ge @!p0 [sflag:s8], $0x0  }
0x24: {  	s3 =	sadd.s32 $0x88, s3;
	s6 =	simm.s32 @!p1 $0x1082;
	[sflag:s4] =	ssyncset.s32 $0xFFFFF086  }
0x25: {  	[simem:s6], [sflag:s4] =	dma.local [hbm:s3], $0xF7A  }
0x26: {  	[smem:$0x3F9C] =	sst s1;
	(tag) =	ssettag s2;
	_ =	strace s9  }
0x27: {  	s1 =	sld [smem:$0x3FAC]  }
0x28: {  	s2 =	sld [smem:$0x3FAD]  }
0x29: {  	s4 =	sld [smem:$0x3FAF]  }
0x2a: {  	p0 =	seq.s32 s5, $0x0;
	s5 =	sld [smem:$0x3FB0]  }
0x2b: {  	s6 =	sld [smem:$0x3FB1]  }
0x2c: {  	s7 =	sld [smem:$0x3FB2]  }
0x2d: {  	s3 =	simm.s32 $0x108;
	s8 =	sld [smem:$0x3FB3]  }
0x2e: {  	s3 =	simm.s32 @!p0 $0x1082;
	s9 =	sld [smem:$0x3FB4]  }
0x2f: {  	lr =	sadd.s32 s0, s3;
	s0 =	sld [smem:$0x3FAB]  }
0x30: {  	s3 =	sld [smem:$0x3FAE]  }
0x31: {  	[smem:$0x3FB7] =	sst s10  }
0x32: {  	s10 =	sld [smem:$0x3FB5];
	_ =	sdelay $0x3  }
0x33: {  	p0 =	seq.s32 s10, $0x1;
	s10 =	sld [smem:$0x3FB7];
	_ =	sdelay $0x3  }
0x34: {  	[smem:$0x3FB7] =	sst s10  }
0x35: {  	s10 =	sld [smem:$0x3FB6];
	_ =	sdelay $0x3  }
0x36: {  	p1 =	seq.s32 s10, $0x1;
	s10 =	sld [smem:$0x3FB7];
	_ =	sdelay $0x3  }
0x37: {  	[smem:$0x3FB7] =	sst s10  }
0x38: {  	s10 =	sld [smem:$0x3FB8]  }
0x39: {  	_ = 	snop;
	(pc) =	sbr.ind lr, $3  }
0x3a: {  	_ = 	snop  }
0x3b: {  	_ = 	snop  }
0x3c: {  	p2 =	seq.s32 s10, $0x1;
	s10 =	sld [smem:$0x3FB7]  }
0x3d: {  	_ =	shalt  }
0x3e: {  	_ =	shalt  }
0x3f: {  	_ =	shalt  }
0x40: {  	_ =	shalt  }
0x41: {  	_ =	shalt  }
0x42: {  	_ =	shalt  }
0x43: {  	_ =	shalt  }
0x44: {  	_ =	shalt  }
0x45: {  	_ =	shalt  }
0x46: {  	_ =	shalt  }
0x47: {  	_ =	shalt  }
0x48: {  	_ =	shalt  }
0x49: {  	_ =	shalt  }
0x4a: {  	_ =	shalt  }
0x4b: {  	_ =	shalt  }
0x4c: {  	_ =	shalt  }
0x4d: {  	_ =	shalt  }
0x4e: {  	_ =	shalt  }
0x4f: {  	_ =	shalt  }
0x50: {  	_ =	shalt  }
0x51: {  	_ =	shalt  }
0x52: {  	_ =	shalt  }
0x53: {  	_ =	shalt  }
0x54: {  	_ =	shalt  }
0x55: {  	_ =	shalt  }
0x56: {  	_ =	shalt  }
0x57: {  	_ =	shalt  }
0x58: {  	_ =	shalt  }
0x59: {  	_ =	shalt  }
0x5a: {  	_ =	shalt  }
0x5b: {  	_ =	shalt  }
0x5c: {  	_ =	shalt  }
0x5d: {  	_ =	shalt  }
0x5e: {  	_ =	shalt  }
0x5f: {  	_ =	shalt  }
0x60: {  	_ =	shalt  }
0x61: {  	_ =	shalt  }
0x62: {  	_ =	shalt  }
0x63: {  	_ =	shalt  }
0x64: {  	_ =	shalt  }
0x65: {  	_ =	shalt  }
0x66: {  	_ =	shalt  }
0x67: {  	_ =	shalt  }
0x68: {  	_ =	shalt  }
0x69: {  	_ =	shalt  }
0x6a: {  	_ =	shalt  }
0x6b: {  	_ =	shalt  }
0x6c: {  	_ =	shalt  }
0x6d: {  	_ =	shalt  }
0x6e: {  	_ =	shalt  }
0x6f: {  	_ =	shalt  }
0x70: {  	_ =	shalt  }
0x71: {  	_ =	shalt  }
0x72: {  	_ =	shalt  }
0x73: {  	_ =	shalt  }
0x74: {  	_ =	shalt  }
0x75: {  	_ =	shalt  }
0x76: {  	_ =	shalt  }
0x77: {  	_ =	shalt  }
0x78: {  	_ =	shalt  }
0x79: {  	_ =	shalt  }
0x7a: {  	_ =	shalt  }
0x7b: {  	_ =	shalt  }
0x7c: {  	_ =	shalt  }
0x7d: {  	_ =	shalt  }
0x7e: {  	_ =	shalt  }
0x7f: {  	_ =	shalt  }
0x80: {  	_ =	shalt  }
0x81: {  	_ =	shalt  }
0x82: {  	_ =	shalt  }
0x83: {  	_ =	shalt  }
0x84: {  	_ =	shalt  }
0x85: {  	_ =	shalt  }
0x86: {  	_ =	shalt  }
0x87: {  	_ =	shalt  }
.Lfunc_end0:
.L_simem_size_0:
called_computation_lowered:
.L_overlay_start_0:
0x88: {  	s2 =	sld [smem:$0x3FD9]  }
0x89: {  	s3 =	sld [smem:$0x3FFE];
	_ =	sdelay $0x1  }
0x8a: {  	s1 =	srdreg.scid  }
0x8b: {  	s0 =	sand.u32 $0x1, s1  }
0x8c: {  	s14 =	sshll.u32 s0, $0xA;
	s2 =	sadd.s32 s3, s2  }
0x8d: {  	s2 =	sadd.s32 s2, s14  }
0x8e: {  	[smem:$0x3FC3] =	sst s2  }
0x8f: {  	_ = 	snop  }
0x90: {  	s2 =	sld [smem:$0x3FD0];
	_ =	sdelay $0x2  }
0x91: {  	s15 =	simm.s32 $0xA;
	s4 =	simm.s32 $0x10  }
0x92: {  	[smem:s4], [sflag:s15] =	dma.local [hbm:s2], $0x1  }
0x93: {  	_ =	swait.eq [sflag:s15], $0x1  }
0x94: {  	[sflag:s15] =	ssyncset.done $0x0  }
0x95: {  	s16 =	sld [smem:$0x10];
	[sflag:s15] =	ssyncadd.s32 $0xFFFFFFFF  }
0x96: {  	s17 =	sld [smem:$0x11];
	(tm) =	ssettm $0x1  }
0x97: {  	s18 =	sld [smem:$0x3FFB];
	_ =	sdelay $0x3  }
0x98: {  	_ =	strace s18  }
0x99: {  	s4 =	sld [smem:$0x3FFC];
	_ =	sdelay $0x3  }
0x9a: {  	_ =	strace s4  }
0x9b: {  	s4 =	sld [smem:$0x3FFD];
	_ =	sdelay $0x3  }
0x9c: {  	_ =	strace s4  }
0x9d: {  	_ =	strace $0x8FFFFFFF  }
0x9e: {  	s19 =	sld [smem:$0x3FDB];
	_ =	sdelay $0x1  }
0x9f: {  	s5 =	simm.s32 $_scs_section_size  }
0xa0: {  	s6 =	simm.s32 $_size__tile_overlayer_lowered;
	s7 =	simm.s32 $_tile_overlayer_lowered  }
0xa1: {  	s22 =	simm.s32 $0x1BFF;
	s21 =	sshll.u32 s7, $0x1;
	s4 =	sadd.s32 s5, s19  }
0xa2: {  	s8 =	simm.s32 $0x0;
	s20 =	sshll.u32 s6, $0x1;
	s6 =	sadd.s32 s21, s4  }
0xa3: {  	[timem:s8], [sflag:s22] =	dma.local [hbm:s6], s20  }
0xa4: {  	_ =	swait.ge [sflag:s22], s20  }
0xa5: {  	s5 =	ssub.s32 $0x0, s20;
	[sflag:s22] =	ssyncset.done $0x0  }
0xa6: {  	[sflag:s22] =	ssyncadd.s32 s5;
	_ =	sdelay $0x1  }
0xa7: {  	s23 =	simm.s32 $0x1B8B  }
0xa8: {  	_ =	swait.ge [sflag:s23], $0x1  }
0xa9: {  	[sflag:s23] =	ssyncset.done $0x0  }
0xaa: {  	s25 =	simm.s32 $0x1B8E;
	s24 =	sld [smem:$0x3FFE];
	[sflag:s23] =	ssyncadd.s32 $0xFFFFFFFF  }
0xab: {  	s26 =	simm.s32 $execute0_lowered;
	[smem:$0x3FD2] =	sst s25  }
0xac: {  	s6 =	sshll.u32 s26, $0x1;
	_ =	strace $0x80000046;
	[dreg:$0x1] =	wrdreg $0xFFFFFFFF  }
0xad: {  	s28 =	simm.s32 $_size_execute0_lowered;
	s4 =	sadd.s32 s4, s6;
	[dreg:$0x0] =	wrdreg $0x0  }
0xae: {  	s6 =	sshll.u32 s28, $0x1;
	[dreg:$0x2] =	wrdreg s4  }
0xaf: {  	[dreg:$0x3] =	wrdreg s6  }
0xb0: {  	[dreg:$0x4] =	wrdreg $0xC0  }
0xb1: {  	_ =	task [dreg:s8], $0x5FFFF  }
0xb2: {  	[dreg:$0x1] =	wrdreg $0xFFFFFFFF  }
0xb3: {  	[dreg:$0x0] =	wrdreg $0x60  }
0xb4: {  	[dreg:$0x2] =	wrdreg s16  }
0xb5: {  	[dreg:$0x3] =	wrdreg s17  }
0xb6: {  	[dreg:$0x4] =	wrdreg s24  }
0xb7: {  	[dreg:$0x5] =	wrdreg $0x9  }
0xb8: {  	_ =	task.clear_ibuf [dreg:s8], $0x6FFFF;
	_ =	strace $0x90000046  }
0xb9: {  	s29 =	simm.s32 $0x9;
	_ =	strace $0x80000048  }
0xba: {  	_ =	swait.ge [sflag:s29], $0x1  }
0xbb: {  	[sflag:s29] =	ssyncadd.s32 $0xFFFFFFFF  }
0xbc: {  	_ =	strace $0x90000048  }
0xbd: {  	_ =	sfence  }
0xbe: {  	s30 =	sld [smem:$0x0];
	_ =	sdelay $0x2  }
0xbf: {  	s31 =	sshll.u32 s1, $0xD;
	s1 =	sshrl.u32 s1, $0x2  }
0xc0: {  	s3 =	sand.u32 $0x4000, s31;
	s1 =	sadd.s32 s1, s30  }
0xc1: {  	s0 =	sor.u32 s3, s0;
	s1 =	sshll.u32 s1, $0x11  }
0xc2: {  	s0 =	sor.u32 s1, s0  }
0xc3: {  	s0 =	sadd.s32 $0x8F2B, s0  }
0xc4: {  	[sflag:s0] =	ssyncadd.remote.s32 $0x1  }
0xc5: {  	_ =	sfence.sel $0xFFFF  }
0xc6: {  	[dreg:$0x0] =	wrdreg $0xFFFFFFFF;
	(pc) =	sbr.abs _section_cstart, $3  }
0xc7: {  	[dreg:$0x1] =	wrdreg $0xFFFFFFFF  }
0xc8: {  	_ =	task.clear_ibuf [dreg:s8], $0x2FFFF;
	_ =	strace $0x9FFFFFFF  }
0xc9: {  	(tm) =	ssettm $0x7FFFFFFF  }
tec
execute0_lowered:
.L_overlay_start_1:
0x0: {  	(tag) =	ssettag $0x1  }
0x1: {  	s1 =	srdreg.scid;
	s2 =	rddreg [dreg:$0x0]  }
0x2: {  	s0 =	stileid.u32;
	s3 =	rddreg [dreg:$0x1]  }
0x3: {  	s4 =	rddreg [dreg:$0x2];
	s6 =	simm.s32 $0x1;
	s1 =	sshll.u32 s1, $0x6  }
0x4: {  	s9 =	simm.s32 $0x1;
	s5 =	sshll.u32 s0, $0x7;
	s1 =	sand.u32 $0x40, s1  }
0x5: {  	s10 =	simm.s32 $0x3;
	s13 =	simm.s32 $0x0;
	s5 =	sor.u32 s5, s1  }
0x6: {  	s12 =	simm.s32 $0x0;
	s1 =	rddreg [dreg:$0x3];
	s8 =	ssub.s32 $0x1000, s5  }
.Ltmp0:
0x7: {  	_ =	strace $0x80000047;
	s7 =	sand.u32 $0x7C0, s8;
	(pc) =	sbr.rel .LBB2_1-.Ltmp0, $4  }
0x8: {  	[sflag:s6] =	ssyncpa.u1 $0x0;
	s11 =	smov.u32 s5;
	p0 =	sne.s32 s7, $0x0  }
0x9: {  	s8 =	sshrl.u32 s8, $0xB;
	s7 =	simm.s32 $0x2;
	s9 =	simm.s32 @!p0 $0x0  }
0xa: {  	[sflag:s7] =	ssyncpa.u1 $0x0;
	p0 =	por $0x0, $0x0;
	s8 =	sadd.s32 s9, s8  }
0xb: {  	vm0 =	vmmov $0xffff;
	[sflag:s10] =	ssyncpa.u1 $0x0;
	s10 =	simm.s32 $0x0;
	s9 =	sadd.s32 $0x1, s8  }
.LBB2_4:
0xc: {  	v1 =	vsel vm1, $0xFFFFFFFF, v1;
	v2 =	vand.u32 $0x7, v2  }
0xd: {  	v2 =	vsel vm1, $0xFFFFFFFF, v2;
	v3 =	vshll.u32 v1, $0x3  }
0xe: {  	v4 =	vand.u32 $0xFFFF8000, v2;
	v3 =	vand.u32 $0xFFFFFC00, v3;
	v2 =	vshll.u32 v2, $0x7  }
0xf: {  	v3 =	vadd.s32 v3, v4;
	v2 =	vand.u32 $0x380, v2  }
0x10: {  	v1 =	vand.u32 $0x7F, v1;
	v2 =	vor.u32 v2, v3  }
0x11: {  	v1 =	vor.u32 v1, v2;
	_ =	sdelay $0x1  }
0x12: {  	(ifvalue) =	ssetifvalue $0x7FFFFFFF;
	s15 =	sadd.s32 $0x10, s15  }
0x13: {  	[tilespmem:s15], [sflag:$0x1] =	stream.indirect_vreg.gather [hbm4b:s2+s10], $0x1, v0, vm0, $0x4038;
	[tilespmem:$0x100] =	vst v63  }
0x14: {  	(ifvalue) =	ssetifvalue $0x7FFFFFFF;
	s15 =	sadd.s32 $0x10, s15  }
0x15: {  	[tilespmem:s15], [sflag:$0x1] =	stream.indirect_vreg.gather [hbm4b:s2+s10], $0x1, v1, vm0, $0x4038;
	[tilespmem:$0x100] =	vst v63  }
0x16: {  	_ =	swait.ge [sflag:s6], $0x40  }
0x17: {  	s30 =	sshrl.u32 s13, $0x3;
	[sflag:s6] =	ssyncset.done $0x0  }
0x18: {  	s31 =	sand.u32 $0x7, s13;
	s15 =	sadd.s32 s4, s30;
	[sflag:s6] =	ssyncadd.s32 $0xFFFFFFC0  }
0x19: {  	[hbm4b:s15+s31] =	stream.linear.scatter [tilespmem:s14], [sflag:$0x3], $0x40, $0x38;
	[tilespmem:$0x100] =	vst v63  }
.LBB2_5:
0x1a: {  	s15 =	sadd.s32 $0x800, s11  }
0x1b: {  	p2 =	sgt.s32 s15, $0xFFF  }
0x1c: {  	s15 =	smov.u32 @p2 s5;
	p2 =	sne.s32 s12, s9  }
.Ltmp1:
0x1d: {  	p1 =	slt.u32 s12, $0x2;
	(pc) =	sbr.rel @!p2 .LBB2_6-.Ltmp1, $4  }
0x1e: {  	s14 =	simm.s32 @!p1 $0x3  }
0x1f: {  	s16 =	sadd.s32 $0x1, s12;
	_ =	swait.ge @!p1 [sflag:s14], $0x40  }
0x20: {  	s13 =	smov.u32 s11;
	p0 =	por !p0, !p0;
	[sflag:s14] =	ssyncset.done @!p1 $0x0  }
0x21: {  	s12 =	smov.u32 s16;
	s11 =	smov.u32 s15;
	[sflag:s14] =	ssyncadd.s32 @!p1 $0xFFFFFFC0  }
.LBB2_1:
0x22: {  	p1 =	sge.u32 s12, s8  }
0x23: {  	s14 =	sxor.u32 @!p1 $0xFFFFFFFF, s12  }
0x24: {  	s31 =	sadd.s32 $0xFFFFFFFF, s12;
	s15 =	sshrl.u32 @!p1 s11, $0x3;
	s14 =	sshll.u32 @!p1 s14, $0x6  }
0x25: {  	s16 =	sand.u32 @!p1 $0x7, s11;
	s15 =	sadd.s32 @!p1 s3, s15;
	s14 =	sand.u32 @!p1 $0x40, s14  }
0x26: {  	[tilespmem:s14], [sflag:$0x2] =	stream.linear.gather @!p1 [hbm4b:s15+s16], $0x40, $0x38;
	[tilespmem:$0x100] =	vst v63  }
0x27: {  	p1 =	sge.u32 s31, s8  }
.Ltmp2:
0x28: {  	_ = 	snop;
	(pc) =	sbr.rel @p1 .LBB2_5-.Ltmp2, $1  }
0x29: {  	_ =	sdelay $0x3  }
0x2a: {  	s14 =	simm.s32 $0x1  }
0x2b: {  	_ =	swait.ge [sflag:s7], $0x40;
	s14 =	simm.s32 @!p0 $0x0  }
0x2c: {  	[sflag:s7] =	ssyncset.done $0x0;
	s14 =	sshll.u32 s14, $0x6  }
0x2d: {  	[sflag:s7] =	ssyncadd.s32 $0xFFFFFFC0;
	(ifvalue) =	ssetifvalue $0x7FFFFFFF;
	v0 =	vld.msk [tilespmem:s14+$0x0 ss:$0x1], $0xffff;
	_ =	sdelay $0x3  }
0x2e: {  	s15 =	sadd.s32 $0x10, s14  }
0x2f: {  	v2 =	vld.msk [tilespmem:s15+$0x0 ss:$0x1], $0xffff;
	vm1 =	veq.s32 v0, $0x80000000;
	v1 =	vand.u32 $0xFFF, v0;
	v0 =	vshrl.u32 v0, $0xC  }
0x30: {  	v1 =	vsel vm1, $0xFFFFFFFF, v1;
	v0 =	vand.u32 $0x7, v0  }
0x31: {  	v0 =	vsel vm1, $0xFFFFFFFF, v0;
	v3 =	vshll.u32 v1, $0x3  }
0x32: {  	v4 =	vand.u32 $0xFFFF8000, v0;
	v3 =	vand.u32 $0xFFFFFC00, v3;
	v0 =	vshll.u32 v0, $0x7  }
0x33: {  	v3 =	vadd.s32 v3, v4;
	v0 =	vand.u32 $0x380, v0  }
0x34: {  	v1 =	vand.u32 $0x7F, v1;
	vm1 =	veq.s32 v2, $0x80000000;
	v0 =	vor.u32 v0, v3  }
0x35: {  	v0 =	vor.u32 v1, v0;
	v1 =	vand.u32 $0xFFF, v2;
	v2 =	vshrl.u32 v2, $0xC  }
0x36: {  	s17 =	sadd.s32 $0x10, s15;
	v1 =	vsel vm1, $0xFFFFFFFF, v1;
	v2 =	vand.u32 $0x7, v2  }
0x37: {  	v3 =	vld.msk [tilespmem:s17+$0x0 ss:$0x1], $0xffff;
	v2 =	vsel vm1, $0xFFFFFFFF, v2;
	v63 =	vshll.u32 v1, $0x3  }
0x38: {  	v5 =	vand.u32 $0xFFFF8000, v2;
	v4 =	vand.u32 $0xFFFFFC00, v63;
	v2 =	vshll.u32 v2, $0x7  }
0x39: {  	s31 =	sshll.u32 s12, $0x6;
	s15 =	sor.u32 $0x80, s14;
	(ifvalue) =	ssetifvalue $0x7FFFFFFF;
	v4 =	vadd.s32 v4, v5;
	v2 =	vand.u32 $0x380, v2  }
0x3a: {  	[tilespmem:s15], [sflag:$0x1] =	stream.indirect_vreg.gather [hbm4b:s2+s10], $0x1, v0, vm0, $0x4038;
	v0 =	vand.u32 $0x7F, v1;
	v1 =	vor.u32 v2, v4;
	[tilespmem:$0x100] =	vst v63  }
0x3b: {  	s14 =	sand.u32 $0x40, s31;
	v0 =	vor.u32 v0, v1  }
0x3c: {  	s16 =	simm.s32 $0x20;
	s14 =	sor.u32 $0x80, s14;
	s17 =	sadd.s32 $0x10, s17;
	vm1 =	veq.s32 v3, $0x80000000;
	v2 =	vshrl.u32 v3, $0xC;
	v1 =	vand.u32 $0xFFF, v3  }
.LBB2_3:
0x3d: {  	v3 =	vld.msk [tilespmem:s17+$0x0 ss:$0x1], $0xffff;
	s16 =	sadd.s32 $0x10, s16;
	v1 =	vsel vm1, $0xFFFFFFFF, v1;
	v2 =	vand.u32 $0x7, v2  }
0x3e: {  	p1 =	slt.u32 s16, $0x30;
	v2 =	vsel vm1, $0xFFFFFFFF, v2;
	v4 =	vshll.u32 v1, $0x3  }
.Ltmp3:
0x3f: {  	s15 =	sadd.s32 $0x10, s15;
	v5 =	vand.u32 $0xFFFF8000, v2;
	v4 =	vand.u32 $0xFFFFFC00, v4;
	v2 =	vshll.u32 v2, $0x7;
	(ifvalue) =	ssetifvalue $0x7FFFFFFF;
	(pc) =	sbr.rel @p1 .LBB2_3-.Ltmp3, $4  }
0x40: {  	v4 =	vadd.s32 v4, v5;
	v2 =	vand.u32 $0x380, v2;
	[tilespmem:s15], [sflag:$0x1] =	stream.indirect_vreg.gather [hbm4b:s2+s10], $0x1, v0, vm0, $0x4038;
	[tilespmem:$0x100] =	vst v63  }
0x41: {  	v0 =	vand.u32 $0x7F, v1;
	v1 =	vor.u32 v2, v4  }
0x42: {  	v0 =	vor.u32 v0, v1  }
0x43: {  	s17 =	sadd.s32 $0x10, s17;
	vm1 =	veq.s32 v3, $0x80000000;
	v1 =	vand.u32 $0xFFF, v3;
	v2 =	vshrl.u32 v3, $0xC  }
.Ltmp4:
0x44: {  	_ = 	snop;
	(pc) =	sbr.rel .LBB2_4-.Ltmp4, $1  }
0x45: {  	_ =	sdelay $0x3  }
.LBB2_6:
0x46: {  	_ =	sfence.sel $0x180000  }
0x47: {  	s2 =	simm.s32 $0x2;
	[bflag:$0x0] =	sbarrier.arrive $0xFFFF  }
0x48: {  	s30 =	simm.s32 $0x3;
	[sflag:s2] =	ssyncpa.u1 $0x1  }
0x49: {  	s31 =	simm.s32 $0x1;
	[sflag:s30] =	ssyncpa.u1 $0x1  }
0x4a: {  	[sflag:s31] =	ssyncpa.u1 $0x1  }
0x4b: {  	p0 =	sne.s32 s0, $0x0;
	_ =	strace $0x90000047  }
0x4c: {  	s0 =	sadd.s32 @!p0 $0x100000, s1;
	[bflag:$0x2] =	sbarrier.arrive $0xFFFF  }
0x4d: {  	[sflag:s0] =	ssyncadd.tile.s32 @!p0 $0x1;
	_ =	shalt  }
.Lfunc_end2:
_tile_overlayer_lowered:
.L_overlay_start_2:
0x4e: {  	(tag) =	ssettag $0x2  }
0x4f: {  	s0 =	rddreg [dreg:$0x0];
	s2 =	stileid.u32  }
0x50: {  	s1 =	rddreg [dreg:$0x1];
	p0 =	sne.s32 s2, $0x0  }
0x51: {  	s3 =	rddreg [dreg:$0x2];
	[bflag:$0x3] =	sbarrier.arrive $0xFFFF;
	s2 =	simm.s32 @!p0 $0x1C01  }
0x52: {  	[timem:s3], [sflag:s2] =	dma.local @!p0 [hbm:s0], s1  }
0x53: {  	s0 =	simm.s32 @!p0 $0x1  }
0x54: {  	_ =	swait.ge @!p0 [sflag:s0], s1  }
0x55: {  	s1 =	ssub.s32 @!p0 $0x0, s1;
	[sflag:s0] =	ssyncset.done @!p0 $0x0  }
0x56: {  	[sflag:s0] =	ssyncadd.s32 @!p0 s1  }
0x57: {  	[bflag:$0x3] =	sbarrier.arrive $0xFFFF  }
0x58: {  	_ =	shalt  }

</sc_bundles>
